<compile_context>
chip_gen: v7x
topology: tpu7x:2x2x1
jax: 0.10.2.dev20260603
libtpu: 0.0.44.dev20260713+nightly
codegen_flags: <defaults>
</compile_context>

<pallas_src>
import jax
import jax.numpy as jnp
from jax import lax
from jax.experimental import pallas as pl
from jax.experimental.pallas import tpu as pltpu
from jax.experimental.pallas import tpu_sc as plsc

N_BINS = 64
EPS = 1e-06
LOW = 0.0
HIGH = 1.0

NC = 2
NS = 16
NW = NC * NS
LANES = 16

HALF = 512
NBUF = 2


def _sc_tokenize(x_hbm, zeros_hbm, tokens_hbm, mask_hbm,
                 x_v, buf_v, colsave_v, ones_v, sems, mask_sem):
    M = x_hbm.shape[0]
    nslab = tokens_hbm.shape[0]
    bdim = x_hbm.shape[0] // nslab
    mw = M // NW
    spw = nslab // NW
    nch = spw * (bdim // HALF)
    wid = lax.axis_index("s") * NC + lax.axis_index("c")
    base = wid * mw

    pltpu.async_copy(x_hbm.at[pl.ds(base, mw)], x_v, sems.at[0])
    pltpu.async_copy(zeros_hbm, buf_v, sems.at[1])
    zvec_i = jnp.zeros((LANES,), jnp.int32)

    def zinit(i, carry):
        colsave_v[pl.ds(i * LANES, LANES)] = zvec_i
        return carry

    lax.fori_loop(0, (NBUF * HALF) // LANES, zinit, 0)

    onef_ = jnp.ones((LANES,), jnp.float32)
    nones = ones_v.shape[0]

    def ofill(i, carry):
        ones_v[pl.ds(i * LANES, LANES)] = onef_
        return carry

    lax.fori_loop(0, nones // LANES, ofill, 0)
    for q in range(mw // nones):
        pltpu.async_copy(
            ones_v, mask_hbm.at[pl.ds(base + q * nones, nones)], mask_sem
        )
    pltpu.make_async_copy(x_hbm.at[pl.ds(base, mw)], x_v, sems.at[0]).wait()
    pltpu.make_async_copy(zeros_hbm, buf_v, sems.at[1]).wait()

    iota = lax.broadcasted_iota(jnp.int32, (LANES,), 0)
    onef = jnp.ones((LANES,), jnp.float32)
    zerof = jnp.zeros((LANES,), jnp.float32)
    ngrp = HALF // LANES

    def do_chunk(c, slot):
        slab = wid * spw + c // 2
        bh = c % 2
        slotv = jnp.full((LANES,), slot, jnp.int32)

        @pl.when(c >= NBUF)
        def _():
            pltpu.make_async_copy(
                buf_v.at[slot],
                tokens_hbm.at[slab, :, pl.ds(bh * 4, 4)],
                sems.at[slot],
            ).wait()

        def grp(g, carry):
            bl = g * LANES + iota
            xv = x_v[pl.ds(c * HALF + g * LANES, LANES)]
            xv = jnp.minimum(jnp.maximum(xv, LOW + EPS), HIGH - EPS)
            bins = (xv * N_BINS).astype(jnp.int32)
            btl = bl >> 7
            b128 = bl & 127
            sbase = slot * HALF + g * LANES
            old = colsave_v[pl.ds(sbase, LANES)]
            plsc.store_scatter(
                buf_v, [slotv, old >> 3, btl, old & 7, b128], zerof)
            plsc.store_scatter(
                buf_v, [slotv, bins >> 3, btl, bins & 7, b128], onef)
            colsave_v[pl.ds(sbase, LANES)] = bins
            return carry

        lax.fori_loop(0, ngrp, grp, 0)
        pltpu.async_copy(
            buf_v.at[slot],
            tokens_hbm.at[slab, :, pl.ds(bh * 4, 4)],
            sems.at[slot],
        )

    def pair(c2, carry):
        for b in range(NBUF):
            do_chunk(c2 * NBUF + b, b)
        return carry

    lax.fori_loop(0, nch // NBUF, pair, 0)

    for b in range(NBUF):
        pltpu.make_async_copy(
            buf_v.at[b],
            tokens_hbm.at[wid * spw, :, pl.ds(b * 4, 4)],
            sems.at[b],
        ).wait()

    for q in range(mw // nones):
        pltpu.make_async_copy(
            ones_v, mask_hbm.at[pl.ds(base + q * nones, nones)], mask_sem
        ).wait()


@jax.jit
def kernel(observations):
    B, T, D = observations.shape
    M = B * T * D
    xt = jnp.transpose(observations, (1, 2, 0)).reshape(M)
    zeros = jnp.zeros((NBUF, 8, 4, 8, 128), jnp.float32)
    mesh = plsc.VectorSubcoreMesh(core_axis_name="c", subcore_axis_name="s")
    mw = M // NW
    tokens6, mask = pl.kernel(
        _sc_tokenize,
        mesh=mesh,
        compiler_params=pltpu.CompilerParams(
            needs_layout_passes=False, use_tc_tiling_on_sc=True),
        out_type=[
            jax.ShapeDtypeStruct((T * D, 8, 8, 8, 128), jnp.float32),
            jax.ShapeDtypeStruct((M,), jnp.float32),
        ],
        scratch_types=[
            pltpu.VMEM((mw,), jnp.float32),
            pltpu.VMEM((NBUF, 8, 4, 8, 128), jnp.float32),
            pltpu.VMEM((NBUF * HALF,), jnp.int32),
            pltpu.VMEM((4096,), jnp.float32),
            pltpu.SemaphoreType.DMA((NBUF,)),
            pltpu.SemaphoreType.DMA,
        ],
    )(xt, zeros)
    t6 = tokens6.reshape(T, D, 8, 8, 8, 128)
    tokens = jnp.transpose(t6, (3, 5, 0, 1, 2, 4)).reshape(B, T, D, N_BINS)
    maskt = jnp.transpose(mask.reshape(T, D, B), (2, 0, 1))
    return (tokens, maskt)

# --- scband reference (transcript-rebuilt; emitter-appended) ---
"""Pipeline reference for scband-lowdim-obs-tokenizer-90812788507002 (READ-ONLY COPY).

The authoritative reference and input builder live on the scoring server;
editing this copy changes nothing except your own understanding.
"""

import jax, jax.numpy as jnp
import numpy as np

EPS = 1e-06
N_BINS = 64
LOW = 0.0
HIGH = 1.0
B, T, D = 1024, 20, 32


def setup_inputs(seed: int = 0) -> dict:
    key = jax.random.key(seed)
    # observations dict contains a single non-spatial key 'proprio' matching obs_stack_keys
    proprio = jax.random.uniform(key, (B, T, D), dtype=jnp.float32)
    return {"observations": proprio}


def reference(observations):
    # obs_stack_keys = ['proprio'] matches the single provided tensor; concat of one tensor is identity
    tokenizer_inputs = observations  # [B, T, D]
    # BinTokenizer.forward (bin_type='uniform')
    thresholds = jnp.linspace(LOW, HIGH, N_BINS + 1)
    x = jnp.clip(tokenizer_inputs, LOW + EPS, HIGH - EPS)
    x = x[..., None]  # [B, T, D, 1]
    token_one_hot = ((x < thresholds[1:]) & (x >= thresholds[:-1])).astype(jnp.uint8)  # [B, T, D, n_bins]
    tokenized_inputs = jnp.argmax(token_one_hot, axis=-1)  # [B, T, D] int
    # discretize=True -> F.one_hot(tokens, n_bins)
    tokens = jax.nn.one_hot(tokenized_inputs, N_BINS, dtype=jnp.float32)  # [B, T, D, n_bins]
    mask = jnp.ones(tokens.shape[:-1], dtype=jnp.float32)  # [B, T, D]
    # TokenGroup(tokens, mask) returned as a tuple
    return (tokens, mask)

if __name__ == "__main__":
    import jax
    _d = setup_inputs()
    print(jax.jit(kernel)(*tuple(_d.values())))

</pallas_src>

<mosaic_0001>
#map = affine_map<(d0, d1) -> (0)>
#map1 = affine_map<(d0, d1) -> (0, 0, 0, 0, 0)>
module attributes {stable_mosaic.version = 14 : i64} {
  func.func @_sc_tokenize(%arg0: i32, %arg1: i32, %arg2: memref<655360xf32, #tpu.memory_space<hbm>>, %arg3: memref<2x8x4x8x128xf32, #tpu.memory_space<hbm>>, %arg4: memref<640x8x8x8x128xf32, #tpu.memory_space<hbm>>, %arg5: memref<655360xf32, #tpu.memory_space<hbm>>, %arg6: memref<20480xf32, #tpu.memory_space<vmem>>, %arg7: memref<2x8x4x8x128xf32, #tpu.memory_space<vmem>>, %arg8: memref<1024xi32, #tpu.memory_space<vmem>>, %arg9: memref<4096xf32, #tpu.memory_space<vmem>>, %arg10: memref<2x!tpu.dma_semaphore, #tpu.memory_space<semaphore_mem>>, %arg11: memref<!tpu.dma_semaphore, #tpu.memory_space<semaphore_mem>>) attributes {dimension_semantics = [#tpu.dimension_semantics<core_parallel>, #tpu.dimension_semantics<subcore_parallel>], iteration_bounds = array<i64: 2, 16>, scalar_prefetch = 0 : i64, scratch_operands = 6 : i64, tpu.core_type = #tpu.core_type<sc_vector_subcore>, window_params = [{transform_indices = #map}, {transform_indices = #map1}, {transform_indices = #map1}, {transform_indices = #map}]} {
    %mul3A = arith.constant 2 : i32
    %mul3A_0 = arith.muli %arg1, %mul3A : i32
    %add3A = arith.addi %mul3A_0, %arg0 : i32
    %mul3A_1 = arith.constant 20480 : i32
    %mul3A_2 = arith.muli %add3A, %mul3A_1 : i32
    %dma_start3A = arith.constant 0 : i32
    %dma_start3A_3 = tpu.memref_slice %arg2[%mul3A_2] : memref<655360xf32, #tpu.memory_space<hbm>> -> memref<20480xf32, #tpu.memory_space<hbm>>
    %dma_start3A_4 = tpu.memref_slice %arg10[%dma_start3A] : memref<2x!tpu.dma_semaphore, #tpu.memory_space<semaphore_mem>> -> memref<1x!tpu.dma_semaphore, #tpu.memory_space<semaphore_mem>>
    %dma_start3A_5 = tpu.memref_squeeze %dma_start3A_4 : memref<1x!tpu.dma_semaphore, #tpu.memory_space<semaphore_mem>> -> memref<!tpu.dma_semaphore, #tpu.memory_space<semaphore_mem>>
    %dma_start3A_6 = tpu.memref_slice %arg2[%mul3A_2] : memref<655360xf32, #tpu.memory_space<hbm>> -> memref<20480xf32, #tpu.memory_space<hbm>>
    tpu.enqueue_dma source(%dma_start3A_6 : memref<20480xf32, #tpu.memory_space<hbm>>) target(%arg6 : memref<20480xf32, #tpu.memory_space<vmem>>) target_semaphore(%dma_start3A_5 : memref<!tpu.dma_semaphore, #tpu.memory_space<semaphore_mem>>)
    %dma_start3A_7 = arith.constant 1 : i32
    %dma_start3A_8 = tpu.memref_slice %arg10[%dma_start3A_7] : memref<2x!tpu.dma_semaphore, #tpu.memory_space<semaphore_mem>> -> memref<1x!tpu.dma_semaphore, #tpu.memory_space<semaphore_mem>>
    %dma_start3A_9 = tpu.memref_squeeze %dma_start3A_8 : memref<1x!tpu.dma_semaphore, #tpu.memory_space<semaphore_mem>> -> memref<!tpu.dma_semaphore, #tpu.memory_space<semaphore_mem>>
    tpu.enqueue_dma source(%arg3 : memref<2x8x4x8x128xf32, #tpu.memory_space<hbm>>) target(%arg7 : memref<2x8x4x8x128xf32, #tpu.memory_space<vmem>>) target_semaphore(%dma_start3A_9 : memref<!tpu.dma_semaphore, #tpu.memory_space<semaphore_mem>>)
    %broadcast_in_dim3A = arith.constant 0 : i32
    %broadcast_in_dim3A_10 = vector.broadcast %broadcast_in_dim3A : i32 to vector<16xi32>
    %scan3A = arith.constant 0 : i32
    %scan3A_11 = arith.constant 0 : i32
    %scan3A_12 = arith.constant 64 : i32
    %scan3A_13 = arith.addi %scan3A_11, %scan3A_12 : i32
    %scan3A_14 = arith.constant 1 : i32
    scf.for %scan3A_141 = %scan3A_11 to %scan3A_13 step %scan3A_14  : i32 {
      %mul3A_142 = arith.constant 16 : i32
      %mul3A_143 = arith.muli %scan3A_141, %mul3A_142 : i32
      %swap3A = arith.index_cast %mul3A_143 : i32 to index
      %swap3A_144 = tpu.vector_load %arg8[%swap3A] {strides = array<i32>} : memref<1024xi32, #tpu.memory_space<vmem>>, vector<16xi32>,
      tpu.vector_store %arg8[%swap3A], %broadcast_in_dim3A_10 {strides = array<i32>} : memref<1024xi32, #tpu.memory_space<vmem>>, vector<16xi32>,
    }
    %scan3A_15 = arith.constant 64 : i32
    %broadcast_in_dim3A_16 = arith.constant 1.000000e+00 : f32
    %broadcast_in_dim3A_17 = vector.broadcast %broadcast_in_dim3A_16 : f32 to vector<16xf32>
    %scan3A_18 = arith.constant 0 : i32
    %scan3A_19 = arith.constant 0 : i32
    %scan3A_20 = arith.constant 256 : i32
    %scan3A_21 = arith.addi %scan3A_19, %scan3A_20 : i32
    %scan3A_22 = arith.constant 1 : i32
    scf.for %scan3A_141 = %scan3A_19 to %scan3A_21 step %scan3A_22  : i32 {
      %mul3A_142 = arith.constant 16 : i32
      %mul3A_143 = arith.muli %scan3A_141, %mul3A_142 : i32
      %swap3A = arith.index_cast %mul3A_143 : i32 to index
      %swap3A_144 = tpu.vector_load %arg9[%swap3A] {strides = array<i32>} : memref<4096xf32, #tpu.memory_space<vmem>>, vector<16xf32>,
      tpu.vector_store %arg9[%swap3A], %broadcast_in_dim3A_17 {strides = array<i32>} : memref<4096xf32, #tpu.memory_space<vmem>>, vector<16xf32>,
    }
    %scan3A_23 = arith.constant 256 : i32
    %add3A_24 = arith.constant 0 : i32
    %add3A_25 = arith.addi %mul3A_2, %add3A_24 : i32
    %dma_start3A_26 = tpu.memref_slice %arg5[%add3A_25] : memref<655360xf32, #tpu.memory_space<hbm>> -> memref<4096xf32, #tpu.memory_space<hbm>>
    %dma_start3A_27 = tpu.memref_slice %arg5[%add3A_25] : memref<655360xf32, #tpu.memory_space<hbm>> -> memref<4096xf32, #tpu.memory_space<hbm>>
    tpu.enqueue_dma source(%arg9 : memref<4096xf32, #tpu.memory_space<vmem>>) target(%dma_start3A_27 : memref<4096xf32, #tpu.memory_space<hbm>>) target_semaphore(%arg11 : memref<!tpu.dma_semaphore, #tpu.memory_space<semaphore_mem>>)
    %add3A_28 = arith.constant 4096 : i32
    %add3A_29 = arith.addi %mul3A_2, %add3A_28 : i32
    %dma_start3A_30 = tpu.memref_slice %arg5[%add3A_29] : memref<655360xf32, #tpu.memory_space<hbm>> -> memref<4096xf32, #tpu.memory_space<hbm>>
    %dma_start3A_31 = tpu.memref_slice %arg5[%add3A_29] : memref<655360xf32, #tpu.memory_space<hbm>> -> memref<4096xf32, #tpu.memory_space<hbm>>
    tpu.enqueue_dma source(%arg9 : memref<4096xf32, #tpu.memory_space<vmem>>) target(%dma_start3A_31 : memref<4096xf32, #tpu.memory_space<hbm>>) target_semaphore(%arg11 : memref<!tpu.dma_semaphore, #tpu.memory_space<semaphore_mem>>)
    %add3A_32 = arith.constant 8192 : i32
    %add3A_33 = arith.addi %mul3A_2, %add3A_32 : i32
    %dma_start3A_34 = tpu.memref_slice %arg5[%add3A_33] : memref<655360xf32, #tpu.memory_space<hbm>> -> memref<4096xf32, #tpu.memory_space<hbm>>
    %dma_start3A_35 = tpu.memref_slice %arg5[%add3A_33] : memref<655360xf32, #tpu.memory_space<hbm>> -> memref<4096xf32, #tpu.memory_space<hbm>>
    tpu.enqueue_dma source(%arg9 : memref<4096xf32, #tpu.memory_space<vmem>>) target(%dma_start3A_35 : memref<4096xf32, #tpu.memory_space<hbm>>) target_semaphore(%arg11 : memref<!tpu.dma_semaphore, #tpu.memory_space<semaphore_mem>>)
    %add3A_36 = arith.constant 12288 : i32
    %add3A_37 = arith.addi %mul3A_2, %add3A_36 : i32
    %dma_start3A_38 = tpu.memref_slice %arg5[%add3A_37] : memref<655360xf32, #tpu.memory_space<hbm>> -> memref<4096xf32, #tpu.memory_space<hbm>>
    %dma_start3A_39 = tpu.memref_slice %arg5[%add3A_37] : memref<655360xf32, #tpu.memory_space<hbm>> -> memref<4096xf32, #tpu.memory_space<hbm>>
    tpu.enqueue_dma source(%arg9 : memref<4096xf32, #tpu.memory_space<vmem>>) target(%dma_start3A_39 : memref<4096xf32, #tpu.memory_space<hbm>>) target_semaphore(%arg11 : memref<!tpu.dma_semaphore, #tpu.memory_space<semaphore_mem>>)
    %add3A_40 = arith.constant 16384 : i32
    %add3A_41 = arith.addi %mul3A_2, %add3A_40 : i32
    %dma_start3A_42 = tpu.memref_slice %arg5[%add3A_41] : memref<655360xf32, #tpu.memory_space<hbm>> -> memref<4096xf32, #tpu.memory_space<hbm>>
    %dma_start3A_43 = tpu.memref_slice %arg5[%add3A_41] : memref<655360xf32, #tpu.memory_space<hbm>> -> memref<4096xf32, #tpu.memory_space<hbm>>
    tpu.enqueue_dma source(%arg9 : memref<4096xf32, #tpu.memory_space<vmem>>) target(%dma_start3A_43 : memref<4096xf32, #tpu.memory_space<hbm>>) target_semaphore(%arg11 : memref<!tpu.dma_semaphore, #tpu.memory_space<semaphore_mem>>)
    %dma_wait3A = arith.constant 0 : i32
    %dma_wait3A_44 = tpu.memref_slice %arg2[%mul3A_2] : memref<655360xf32, #tpu.memory_space<hbm>> -> memref<20480xf32, #tpu.memory_space<hbm>>
    %dma_wait3A_45 = tpu.memref_slice %arg10[%dma_wait3A] : memref<2x!tpu.dma_semaphore, #tpu.memory_space<semaphore_mem>> -> memref<1x!tpu.dma_semaphore, #tpu.memory_space<semaphore_mem>>
    %dma_wait3A_46 = tpu.memref_squeeze %dma_wait3A_45 : memref<1x!tpu.dma_semaphore, #tpu.memory_space<semaphore_mem>> -> memref<!tpu.dma_semaphore, #tpu.memory_space<semaphore_mem>>
    %dma_wait3A_47 = tpu.memref_slice %arg2[%mul3A_2] : memref<655360xf32, #tpu.memory_space<hbm>> -> memref<20480xf32, #tpu.memory_space<hbm>>
    tpu.wait_dma2 semaphore(%dma_wait3A_46 : memref<!tpu.dma_semaphore, #tpu.memory_space<semaphore_mem>>) src(%dma_wait3A_47 : memref<20480xf32, #tpu.memory_space<hbm>>) dst(%arg6 : memref<20480xf32, #tpu.memory_space<vmem>>)
    %dma_wait3A_48 = arith.constant 1 : i32
    %dma_wait3A_49 = tpu.memref_slice %arg10[%dma_wait3A_48] : memref<2x!tpu.dma_semaphore, #tpu.memory_space<semaphore_mem>> -> memref<1x!tpu.dma_semaphore, #tpu.memory_space<semaphore_mem>>
    %dma_wait3A_50 = tpu.memref_squeeze %dma_wait3A_49 : memref<1x!tpu.dma_semaphore, #tpu.memory_space<semaphore_mem>> -> memref<!tpu.dma_semaphore, #tpu.memory_space<semaphore_mem>>
    tpu.wait_dma2 semaphore(%dma_wait3A_50 : memref<!tpu.dma_semaphore, #tpu.memory_space<semaphore_mem>>) src(%arg3 : memref<2x8x4x8x128xf32, #tpu.memory_space<hbm>>) dst(%arg7 : memref<2x8x4x8x128xf32, #tpu.memory_space<vmem>>)
    %iota3A = tpu.iota {dimensions = array<i32: 0>} : vector<16xi32>
    %broadcast_in_dim3A_51 = arith.constant 1.000000e+00 : f32
    %broadcast_in_dim3A_52 = vector.broadcast %broadcast_in_dim3A_51 : f32 to vector<16xf32>
    %broadcast_in_dim3A_53 = arith.constant 0.000000e+00 : f32
    %broadcast_in_dim3A_54 = vector.broadcast %broadcast_in_dim3A_53 : f32 to vector<16xf32>
    %scan3A_55 = arith.constant 0 : i32
    %scan3A_56 = arith.constant 0 : i32
    %scan3A_57 = arith.constant 20 : i32
    %scan3A_58 = arith.addi %scan3A_56, %scan3A_57 : i32
    %scan3A_59 = arith.constant 1 : i32
    scf.for %scan3A_141 = %scan3A_56 to %scan3A_58 step %scan3A_59  : i32 {
      %mul3A_142 = arith.constant 2 : i32
      %mul3A_143 = arith.muli %scan3A_141, %mul3A_142 : i32
      %add3A_144 = arith.constant 0 : i32
      %add3A_145 = arith.addi %mul3A_143, %add3A_144 : i32
      %mul3A_146 = arith.constant 20 : i32
      %mul3A_147 = arith.muli %add3A, %mul3A_146 : i32
      %jit3A = arith.constant 2 : i32
      %div3A = arith.divsi %add3A_145, %jit3A : i32
      %sign3A = arith.constant 0 : i32
      %sign3A_148 = arith.cmpi sgt, %add3A_145, %sign3A : i32
      %sign3A_149 = arith.extui %sign3A_148 : i1 to i32
      %sign3A_150 = arith.constant 0 : i32
      %sign3A_151 = arith.cmpi slt, %add3A_145, %sign3A_150 : i32
      %sign3A_152 = arith.extui %sign3A_151 : i1 to i32
      %sign3A_153 = arith.subi %sign3A_149, %sign3A_152 : i32
      %sign3A_154 = arith.constant 0 : i32
      %sign3A_155 = arith.cmpi sgt, %jit3A, %sign3A_154 : i32
      %sign3A_156 = arith.extui %sign3A_155 : i1 to i32
      %sign3A_157 = arith.constant 0 : i32
      %sign3A_158 = arith.cmpi slt, %jit3A, %sign3A_157 : i32
      %sign3A_159 = arith.extui %sign3A_158 : i1 to i32
      %sign3A_160 = arith.subi %sign3A_156, %sign3A_159 : i32
      %ne3A = arith.cmpi ne, %sign3A_153, %sign3A_160 : i32
      %rem3A = arith.remsi %add3A_145, %jit3A : i32
      %ne3A_161 = arith.constant 0 : i32
      %ne3A_162 = arith.cmpi ne, %rem3A, %ne3A_161 : i32
      %and3A = arith.andi %ne3A, %ne3A_162 : i1
      %sub3A = arith.constant 1 : i32
      %sub3A_163 = arith.subi %div3A, %sub3A : i32
      %select_n3A = arith.select %and3A, %sub3A_163, %div3A : i32
      %add3A_164 = arith.addi %mul3A_147, %select_n3A : i32
      %jit3A_165 = arith.constant 2 : i32
      %eq3A = arith.constant 0 : i32
      %eq3A_166 = arith.cmpi eq, %jit3A_165, %eq3A : i32
      %jit3A_167 = arith.constant 1 : i32
      %select_n3A_168 = arith.select %eq3A_166, %jit3A_167, %jit3A_165 : i32
      %rem3A_169 = arith.remsi %add3A_145, %select_n3A_168 : i32
      %ne3A_170 = arith.constant 0 : i32
      %ne3A_171 = arith.cmpi ne, %rem3A_169, %ne3A_170 : i32
      %lt3A = arith.constant 0 : i32
      %lt3A_172 = arith.cmpi slt, %rem3A_169, %lt3A : i32
      %lt3A_173 = arith.constant 0 : i32
      %lt3A_174 = arith.cmpi slt, %select_n3A_168, %lt3A_173 : i32
      %ne3A_175 = arith.xori %lt3A_172, %lt3A_174 : i1
      %and3A_176 = arith.andi %ne3A_175, %ne3A_171 : i1
      %add3A_177 = arith.addi %rem3A_169, %select_n3A_168 : i32
      %select_n3A_178 = arith.select %and3A_176, %add3A_177, %rem3A_169 : i32
      %broadcast_in_dim3A_179 = arith.constant 0 : i32
      %broadcast_in_dim3A_180 = vector.broadcast %broadcast_in_dim3A_179 : i32 to vector<16xi32>
      %ge3A = arith.constant 2 : i32
      %ge3A_181 = arith.cmpi sge, %add3A_145, %ge3A : i32
      %convert_element_type3A = arith.extui %ge3A_181 : i1 to i32
      %cond3A = arith.constant 0 : i32
      %cond3A_182 = arith.cmpi ne, %convert_element_type3A, %cond3A : i32
      scf.if %cond3A_182 {
        %mul3A_305 = arith.constant 4 : i32
        %mul3A_306 = arith.muli %select_n3A_178, %mul3A_305 : i32
        %dma_wait3A_307 = arith.constant 0 : i32
        %dma_wait3A_308 = arith.constant 0 : i32
        %dma_wait3A_309 = arith.constant 0 : i32
        %dma_wait3A_310 = arith.constant 0 : i32
        %dma_wait3A_311 = arith.constant 0 : i32
        %dma_wait3A_312 = arith.constant 0 : i32
        %dma_wait3A_313 = tpu.memref_slice %arg7[%dma_wait3A_307, %dma_wait3A_309, %dma_wait3A_310, %dma_wait3A_311, %dma_wait3A_312] : memref<2x8x4x8x128xf32, #tpu.memory_space<vmem>> -> memref<1x8x4x8x128xf32, #tpu.memory_space<vmem>>
        %dma_wait3A_314 = tpu.memref_squeeze %dma_wait3A_313 : memref<1x8x4x8x128xf32, #tpu.memory_space<vmem>> -> memref<8x4x8x128xf32, #tpu.memory_space<vmem>>
        %dma_wait3A_315 = arith.constant 0 : i32
        %dma_wait3A_316 = arith.constant 0 : i32
        %dma_wait3A_317 = arith.constant 0 : i32
        %dma_wait3A_318 = tpu.memref_slice %arg4[%add3A_164, %dma_wait3A_315, %mul3A_306, %dma_wait3A_316, %dma_wait3A_317] : memref<640x8x8x8x128xf32, #tpu.memory_space<hbm>> -> memref<1x8x4x8x128xf32, #tpu.memory_space<hbm>>
        %dma_wait3A_319 = tpu.memref_squeeze %dma_wait3A_318 : memref<1x8x4x8x128xf32, #tpu.memory_space<hbm>> -> memref<8x4x8x128xf32, #tpu.memory_space<hbm>>
        %dma_wait3A_320 = tpu.memref_slice %arg10[%dma_wait3A_308] : memref<2x!tpu.dma_semaphore, #tpu.memory_space<semaphore_mem>> -> memref<1x!tpu.dma_semaphore, #tpu.memory_space<semaphore_mem>>
        %dma_wait3A_321 = tpu.memref_squeeze %dma_wait3A_320 : memref<1x!tpu.dma_semaphore, #tpu.memory_space<semaphore_mem>> -> memref<!tpu.dma_semaphore, #tpu.memory_space<semaphore_mem>>
        %dma_wait3A_322 = arith.constant 0 : i32
        %dma_wait3A_323 = arith.constant 0 : i32
        %dma_wait3A_324 = arith.constant 0 : i32
        %dma_wait3A_325 = tpu.memref_slice %arg4[%add3A_164, %dma_wait3A_322, %mul3A_306, %dma_wait3A_323, %dma_wait3A_324] : memref<640x8x8x8x128xf32, #tpu.memory_space<hbm>> -> memref<1x8x4x8x128xf32, #tpu.memory_space<hbm>>
        %dma_wait3A_326 = tpu.memref_squeeze %dma_wait3A_325 : memref<1x8x4x8x128xf32, #tpu.memory_space<hbm>> -> memref<8x4x8x128xf32, #tpu.memory_space<hbm>>
        %dma_wait3A_327 = arith.constant 0 : i32
        %dma_wait3A_328 = arith.constant 0 : i32
        %dma_wait3A_329 = arith.constant 0 : i32
        %dma_wait3A_330 = arith.constant 0 : i32
        %dma_wait3A_331 = tpu.memref_slice %arg7[%dma_wait3A_307, %dma_wait3A_327, %dma_wait3A_328, %dma_wait3A_329, %dma_wait3A_330] : memref<2x8x4x8x128xf32, #tpu.memory_space<vmem>> -> memref<1x8x4x8x128xf32, #tpu.memory_space<vmem>>
        %dma_wait3A_332 = tpu.memref_squeeze %dma_wait3A_331 : memref<1x8x4x8x128xf32, #tpu.memory_space<vmem>> -> memref<8x4x8x128xf32, #tpu.memory_space<vmem>>
        tpu.wait_dma2 semaphore(%dma_wait3A_321 : memref<!tpu.dma_semaphore, #tpu.memory_space<semaphore_mem>>) src(%dma_wait3A_332 : memref<8x4x8x128xf32, #tpu.memory_space<vmem>>) dst(%dma_wait3A_326 : memref<8x4x8x128xf32, #tpu.memory_space<hbm>>)
      } else {
      }
      %scan3A_183 = arith.constant 0 : i32
      %scan3A_184 = arith.constant 0 : i32
      %scan3A_185 = arith.constant 32 : i32
      %scan3A_186 = arith.addi %scan3A_184, %scan3A_185 : i32
      %scan3A_187 = arith.constant 1 : i32
      scf.for %scan3A_305 = %scan3A_184 to %scan3A_186 step %scan3A_187  : i32 {
        %mul3A_306 = arith.constant 16 : i32
        %mul3A_307 = arith.muli %scan3A_305, %mul3A_306 : i32
        %add3A_308 = vector.broadcast %mul3A_307 : i32 to vector<16xi32>
        %add3A_309 = arith.addi %add3A_308, %iota3A : vector<16xi32>
        %mul3A_310 = arith.constant 512 : i32
        %mul3A_311 = arith.muli %add3A_145, %mul3A_310 : i32
        %mul3A_312 = arith.constant 16 : i32
        %mul3A_313 = arith.muli %scan3A_305, %mul3A_312 : i32
        %add3A_314 = arith.addi %mul3A_311, %mul3A_313 : i32
        %get3A = arith.index_cast %add3A_314 : i32 to index
        %get3A_315 = tpu.vector_load %arg6[%get3A] {strides = array<i32>} : memref<20480xf32, #tpu.memory_space<vmem>>, vector<16xf32>,
        %max3A = arith.constant 9.99999997E-7 : f32
        %max3A_316 = vector.broadcast %max3A : f32 to vector<16xf32>
        %max3A_317 = arith.maximumf %get3A_315, %max3A_316 : vector<16xf32>
        %min3A = arith.constant 0.999998986 : f32
        %min3A_318 = vector.broadcast %min3A : f32 to vector<16xf32>
        %min3A_319 = arith.minimumf %max3A_317, %min3A_318 : vector<16xf32>
        %mul3A_320 = arith.constant 6.400000e+01 : f32
        %mul3A_321 = vector.broadcast %mul3A_320 : f32 to vector<16xf32>
        %mul3A_322 = arith.mulf %min3A_319, %mul3A_321 : vector<16xf32>
        %convert_element_type3A_323 = arith.fptosi %mul3A_322 : vector<16xf32> to vector<16xi32>
        %shift_right_arithmetic3A = arith.constant 7 : i32
        %shift_right_arithmetic3A_324 = vector.broadcast %shift_right_arithmetic3A : i32 to vector<16xi32>
        %shift_right_arithmetic3A_325 = arith.shrsi %add3A_309, %shift_right_arithmetic3A_324 : vector<16xi32>
        %and3A_326 = arith.constant 127 : i32
        %and3A_327 = vector.broadcast %and3A_326 : i32 to vector<16xi32>
        %and3A_328 = arith.andi %add3A_309, %and3A_327 : vector<16xi32>
        %mul3A_329 = arith.constant 16 : i32
        %mul3A_330 = arith.muli %scan3A_305, %mul3A_329 : i32
        %add3A_331 = arith.constant 0 : i32
        %add3A_332 = arith.addi %add3A_331, %mul3A_330 : i32
        %get3A_333 = arith.index_cast %add3A_332 : i32 to index
        %get3A_334 = tpu.vector_load %arg8[%get3A_333] {strides = array<i32>} : memref<1024xi32, #tpu.memory_space<vmem>>, vector<16xi32>,
        %shift_right_arithmetic3A_335 = arith.constant 3 : i32
        %shift_right_arithmetic3A_336 = vector.broadcast %shift_right_arithmetic3A_335 : i32 to vector<16xi32>
        %shift_right_arithmetic3A_337 = arith.shrsi %get3A_334, %shift_right_arithmetic3A_336 : vector<16xi32>
        %and3A_338 = arith.constant 7 : i32
        %and3A_339 = vector.broadcast %and3A_338 : i32 to vector<16xi32>
        %and3A_340 = arith.andi %get3A_334, %and3A_339 : vector<16xi32>
        tpu.vector_store_idx %arg7[%broadcast_in_dim3A_180, %shift_right_arithmetic3A_337, %shift_right_arithmetic3A_325, %and3A_340, %and3A_328], %broadcast_in_dim3A_54 : memref<2x8x4x8x128xf32, #tpu.memory_space<vmem>>[vector<16xi32>, vector<16xi32>, vector<16xi32>, vector<16xi32>, vector<16xi32>], vector<16xf32>,
        %shift_right_arithmetic3A_341 = arith.constant 3 : i32
        %shift_right_arithmetic3A_342 = vector.broadcast %shift_right_arithmetic3A_341 : i32 to vector<16xi32>
        %shift_right_arithmetic3A_343 = arith.shrsi %convert_element_type3A_323, %shift_right_arithmetic3A_342 : vector<16xi32>
        %and3A_344 = arith.constant 7 : i32
        %and3A_345 = vector.broadcast %and3A_344 : i32 to vector<16xi32>
        %and3A_346 = arith.andi %convert_element_type3A_323, %and3A_345 : vector<16xi32>
        tpu.vector_store_idx %arg7[%broadcast_in_dim3A_180, %shift_right_arithmetic3A_343, %shift_right_arithmetic3A_325, %and3A_346, %and3A_328], %broadcast_in_dim3A_52 : memref<2x8x4x8x128xf32, #tpu.memory_space<vmem>>[vector<16xi32>, vector<16xi32>, vector<16xi32>, vector<16xi32>, vector<16xi32>], vector<16xf32>,
        %swap3A = arith.index_cast %add3A_332 : i32 to index
        %swap3A_347 = tpu.vector_load %arg8[%swap3A] {strides = array<i32>} : memref<1024xi32, #tpu.memory_space<vmem>>, vector<16xi32>,
        tpu.vector_store %arg8[%swap3A], %convert_element_type3A_323 {strides = array<i32>} : memref<1024xi32, #tpu.memory_space<vmem>>, vector<16xi32>,
      }
      %scan3A_188 = arith.constant 32 : i32
      %mul3A_189 = arith.constant 4 : i32
      %mul3A_190 = arith.muli %select_n3A_178, %mul3A_189 : i32
      %dma_start3A_191 = arith.constant 0 : i32
      %dma_start3A_192 = arith.constant 0 : i32
      %dma_start3A_193 = arith.constant 0 : i32
      %dma_start3A_194 = arith.constant 0 : i32
      %dma_start3A_195 = arith.constant 0 : i32
      %dma_start3A_196 = arith.constant 0 : i32
      %dma_start3A_197 = tpu.memref_slice %arg7[%dma_start3A_191, %dma_start3A_193, %dma_start3A_194, %dma_start3A_195, %dma_start3A_196] : memref<2x8x4x8x128xf32, #tpu.memory_space<vmem>> -> memref<1x8x4x8x128xf32, #tpu.memory_space<vmem>>
      %dma_start3A_198 = tpu.memref_squeeze %dma_start3A_197 : memref<1x8x4x8x128xf32, #tpu.memory_space<vmem>> -> memref<8x4x8x128xf32, #tpu.memory_space<vmem>>
      %dma_start3A_199 = arith.constant 0 : i32
      %dma_start3A_200 = arith.constant 0 : i32
      %dma_start3A_201 = arith.constant 0 : i32
      %dma_start3A_202 = tpu.memref_slice %arg4[%add3A_164, %dma_start3A_199, %mul3A_190, %dma_start3A_200, %dma_start3A_201] : memref<640x8x8x8x128xf32, #tpu.memory_space<hbm>> -> memref<1x8x4x8x128xf32, #tpu.memory_space<hbm>>
      %dma_start3A_203 = tpu.memref_squeeze %dma_start3A_202 : memref<1x8x4x8x128xf32, #tpu.memory_space<hbm>> -> memref<8x4x8x128xf32, #tpu.memory_space<hbm>>
      %dma_start3A_204 = tpu.memref_slice %arg10[%dma_start3A_192] : memref<2x!tpu.dma_semaphore, #tpu.memory_space<semaphore_mem>> -> memref<1x!tpu.dma_semaphore, #tpu.memory_space<semaphore_mem>>
      %dma_start3A_205 = tpu.memref_squeeze %dma_start3A_204 : memref<1x!tpu.dma_semaphore, #tpu.memory_space<semaphore_mem>> -> memref<!tpu.dma_semaphore, #tpu.memory_space<semaphore_mem>>
      %dma_start3A_206 = arith.constant 0 : i32
      %dma_start3A_207 = arith.constant 0 : i32
      %dma_start3A_208 = arith.constant 0 : i32
      %dma_start3A_209 = tpu.memref_slice %arg4[%add3A_164, %dma_start3A_206, %mul3A_190, %dma_start3A_207, %dma_start3A_208] : memref<640x8x8x8x128xf32, #tpu.memory_space<hbm>> -> memref<1x8x4x8x128xf32, #tpu.memory_space<hbm>>
      %dma_start3A_210 = tpu.memref_squeeze %dma_start3A_209 : memref<1x8x4x8x128xf32, #tpu.memory_space<hbm>> -> memref<8x4x8x128xf32, #tpu.memory_space<hbm>>
      %dma_start3A_211 = arith.constant 0 : i32
      %dma_start3A_212 = arith.constant 0 : i32
      %dma_start3A_213 = arith.constant 0 : i32
      %dma_start3A_214 = arith.constant 0 : i32
      %dma_start3A_215 = tpu.memref_slice %arg7[%dma_start3A_191, %dma_start3A_211, %dma_start3A_212, %dma_start3A_213, %dma_start3A_214] : memref<2x8x4x8x128xf32, #tpu.memory_space<vmem>> -> memref<1x8x4x8x128xf32, #tpu.memory_space<vmem>>
      %dma_start3A_216 = tpu.memref_squeeze %dma_start3A_215 : memref<1x8x4x8x128xf32, #tpu.memory_space<vmem>> -> memref<8x4x8x128xf32, #tpu.memory_space<vmem>>
      tpu.enqueue_dma source(%dma_start3A_216 : memref<8x4x8x128xf32, #tpu.memory_space<vmem>>) target(%dma_start3A_210 : memref<8x4x8x128xf32, #tpu.memory_space<hbm>>) target_semaphore(%dma_start3A_205 : memref<!tpu.dma_semaphore, #tpu.memory_space<semaphore_mem>>)
      %mul3A_217 = arith.constant 2 : i32
      %mul3A_218 = arith.muli %scan3A_141, %mul3A_217 : i32
      %add3A_219 = arith.constant 1 : i32
      %add3A_220 = arith.addi %mul3A_218, %add3A_219 : i32
      %mul3A_221 = arith.constant 20 : i32
      %mul3A_222 = arith.muli %add3A, %mul3A_221 : i32
      %jit3A_223 = arith.constant 2 : i32
      %div3A_224 = arith.divsi %add3A_220, %jit3A_223 : i32
      %sign3A_225 = arith.constant 0 : i32
      %sign3A_226 = arith.cmpi sgt, %add3A_220, %sign3A_225 : i32
      %sign3A_227 = arith.extui %sign3A_226 : i1 to i32
      %sign3A_228 = arith.constant 0 : i32
      %sign3A_229 = arith.cmpi slt, %add3A_220, %sign3A_228 : i32
      %sign3A_230 = arith.extui %sign3A_229 : i1 to i32
      %sign3A_231 = arith.subi %sign3A_227, %sign3A_230 : i32
      %sign3A_232 = arith.constant 0 : i32
      %sign3A_233 = arith.cmpi sgt, %jit3A_223, %sign3A_232 : i32
      %sign3A_234 = arith.extui %sign3A_233 : i1 to i32
      %sign3A_235 = arith.constant 0 : i32
      %sign3A_236 = arith.cmpi slt, %jit3A_223, %sign3A_235 : i32
      %sign3A_237 = arith.extui %sign3A_236 : i1 to i32
      %sign3A_238 = arith.subi %sign3A_234, %sign3A_237 : i32
      %ne3A_239 = arith.cmpi ne, %sign3A_231, %sign3A_238 : i32
      %rem3A_240 = arith.remsi %add3A_220, %jit3A_223 : i32
      %ne3A_241 = arith.constant 0 : i32
      %ne3A_242 = arith.cmpi ne, %rem3A_240, %ne3A_241 : i32
      %and3A_243 = arith.andi %ne3A_239, %ne3A_242 : i1
      %sub3A_244 = arith.constant 1 : i32
      %sub3A_245 = arith.subi %div3A_224, %sub3A_244 : i32
      %select_n3A_246 = arith.select %and3A_243, %sub3A_245, %div3A_224 : i32
      %add3A_247 = arith.addi %mul3A_222, %select_n3A_246 : i32
      %jit3A_248 = arith.constant 2 : i32
      %eq3A_249 = arith.constant 0 : i32
      %eq3A_250 = arith.cmpi eq, %jit3A_248, %eq3A_249 : i32
      %jit3A_251 = arith.constant 1 : i32
      %select_n3A_252 = arith.select %eq3A_250, %jit3A_251, %jit3A_248 : i32
      %rem3A_253 = arith.remsi %add3A_220, %select_n3A_252 : i32
      %ne3A_254 = arith.constant 0 : i32
      %ne3A_255 = arith.cmpi ne, %rem3A_253, %ne3A_254 : i32
      %lt3A_256 = arith.constant 0 : i32
      %lt3A_257 = arith.cmpi slt, %rem3A_253, %lt3A_256 : i32
      %lt3A_258 = arith.constant 0 : i32
      %lt3A_259 = arith.cmpi slt, %select_n3A_252, %lt3A_258 : i32
      %ne3A_260 = arith.xori %lt3A_257, %lt3A_259 : i1
      %and3A_261 = arith.andi %ne3A_260, %ne3A_255 : i1
      %add3A_262 = arith.addi %rem3A_253, %select_n3A_252 : i32
      %select_n3A_263 = arith.select %and3A_261, %add3A_262, %rem3A_253 : i32
      %broadcast_in_dim3A_264 = arith.constant 1 : i32
      %broadcast_in_dim3A_265 = vector.broadcast %broadcast_in_dim3A_264 : i32 to vector<16xi32>
      %ge3A_266 = arith.constant 2 : i32
      %ge3A_267 = arith.cmpi sge, %add3A_220, %ge3A_266 : i32
      %convert_element_type3A_268 = arith.extui %ge3A_267 : i1 to i32
      %cond3A_269 = arith.constant 0 : i32
      %cond3A_270 = arith.cmpi ne, %convert_element_type3A_268, %cond3A_269 : i32
      scf.if %cond3A_270 {
        %mul3A_305 = arith.constant 4 : i32
        %mul3A_306 = arith.muli %select_n3A_263, %mul3A_305 : i32
        %dma_wait3A_307 = arith.constant 1 : i32
        %dma_wait3A_308 = arith.constant 1 : i32
        %dma_wait3A_309 = arith.constant 0 : i32
        %dma_wait3A_310 = arith.constant 0 : i32
        %dma_wait3A_311 = arith.constant 0 : i32
        %dma_wait3A_312 = arith.constant 0 : i32
        %dma_wait3A_313 = tpu.memref_slice %arg7[%dma_wait3A_307, %dma_wait3A_309, %dma_wait3A_310, %dma_wait3A_311, %dma_wait3A_312] : memref<2x8x4x8x128xf32, #tpu.memory_space<vmem>> -> memref<1x8x4x8x128xf32, #tpu.memory_space<vmem>>
        %dma_wait3A_314 = tpu.memref_squeeze %dma_wait3A_313 : memref<1x8x4x8x128xf32, #tpu.memory_space<vmem>> -> memref<8x4x8x128xf32, #tpu.memory_space<vmem>>
        %dma_wait3A_315 = arith.constant 0 : i32
        %dma_wait3A_316 = arith.constant 0 : i32
        %dma_wait3A_317 = arith.constant 0 : i32
        %dma_wait3A_318 = tpu.memref_slice %arg4[%add3A_247, %dma_wait3A_315, %mul3A_306, %dma_wait3A_316, %dma_wait3A_317] : memref<640x8x8x8x128xf32, #tpu.memory_space<hbm>> -> memref<1x8x4x8x128xf32, #tpu.memory_space<hbm>>
        %dma_wait3A_319 = tpu.memref_squeeze %dma_wait3A_318 : memref<1x8x4x8x128xf32, #tpu.memory_space<hbm>> -> memref<8x4x8x128xf32, #tpu.memory_space<hbm>>
        %dma_wait3A_320 = tpu.memref_slice %arg10[%dma_wait3A_308] : memref<2x!tpu.dma_semaphore, #tpu.memory_space<semaphore_mem>> -> memref<1x!tpu.dma_semaphore, #tpu.memory_space<semaphore_mem>>
        %dma_wait3A_321 = tpu.memref_squeeze %dma_wait3A_320 : memref<1x!tpu.dma_semaphore, #tpu.memory_space<semaphore_mem>> -> memref<!tpu.dma_semaphore, #tpu.memory_space<semaphore_mem>>
        %dma_wait3A_322 = arith.constant 0 : i32
        %dma_wait3A_323 = arith.constant 0 : i32
        %dma_wait3A_324 = arith.constant 0 : i32
        %dma_wait3A_325 = tpu.memref_slice %arg4[%add3A_247, %dma_wait3A_322, %mul3A_306, %dma_wait3A_323, %dma_wait3A_324] : memref<640x8x8x8x128xf32, #tpu.memory_space<hbm>> -> memref<1x8x4x8x128xf32, #tpu.memory_space<hbm>>
        %dma_wait3A_326 = tpu.memref_squeeze %dma_wait3A_325 : memref<1x8x4x8x128xf32, #tpu.memory_space<hbm>> -> memref<8x4x8x128xf32, #tpu.memory_space<hbm>>
        %dma_wait3A_327 = arith.constant 0 : i32
        %dma_wait3A_328 = arith.constant 0 : i32
        %dma_wait3A_329 = arith.constant 0 : i32
        %dma_wait3A_330 = arith.constant 0 : i32
        %dma_wait3A_331 = tpu.memref_slice %arg7[%dma_wait3A_307, %dma_wait3A_327, %dma_wait3A_328, %dma_wait3A_329, %dma_wait3A_330] : memref<2x8x4x8x128xf32, #tpu.memory_space<vmem>> -> memref<1x8x4x8x128xf32, #tpu.memory_space<vmem>>
        %dma_wait3A_332 = tpu.memref_squeeze %dma_wait3A_331 : memref<1x8x4x8x128xf32, #tpu.memory_space<vmem>> -> memref<8x4x8x128xf32, #tpu.memory_space<vmem>>
        tpu.wait_dma2 semaphore(%dma_wait3A_321 : memref<!tpu.dma_semaphore, #tpu.memory_space<semaphore_mem>>) src(%dma_wait3A_332 : memref<8x4x8x128xf32, #tpu.memory_space<vmem>>) dst(%dma_wait3A_326 : memref<8x4x8x128xf32, #tpu.memory_space<hbm>>)
      } else {
      }
      %scan3A_271 = arith.constant 0 : i32
      %scan3A_272 = arith.constant 0 : i32
      %scan3A_273 = arith.constant 32 : i32
      %scan3A_274 = arith.addi %scan3A_272, %scan3A_273 : i32
      %scan3A_275 = arith.constant 1 : i32
      scf.for %scan3A_305 = %scan3A_272 to %scan3A_274 step %scan3A_275  : i32 {
        %mul3A_306 = arith.constant 16 : i32
        %mul3A_307 = arith.muli %scan3A_305, %mul3A_306 : i32
        %add3A_308 = vector.broadcast %mul3A_307 : i32 to vector<16xi32>
        %add3A_309 = arith.addi %add3A_308, %iota3A : vector<16xi32>
        %mul3A_310 = arith.constant 512 : i32
        %mul3A_311 = arith.muli %add3A_220, %mul3A_310 : i32
        %mul3A_312 = arith.constant 16 : i32
        %mul3A_313 = arith.muli %scan3A_305, %mul3A_312 : i32
        %add3A_314 = arith.addi %mul3A_311, %mul3A_313 : i32
        %get3A = arith.index_cast %add3A_314 : i32 to index
        %get3A_315 = tpu.vector_load %arg6[%get3A] {strides = array<i32>} : memref<20480xf32, #tpu.memory_space<vmem>>, vector<16xf32>,
        %max3A = arith.constant 9.99999997E-7 : f32
        %max3A_316 = vector.broadcast %max3A : f32 to vector<16xf32>
        %max3A_317 = arith.maximumf %get3A_315, %max3A_316 : vector<16xf32>
        %min3A = arith.constant 0.999998986 : f32
        %min3A_318 = vector.broadcast %min3A : f32 to vector<16xf32>
        %min3A_319 = arith.minimumf %max3A_317, %min3A_318 : vector<16xf32>
        %mul3A_320 = arith.constant 6.400000e+01 : f32
        %mul3A_321 = vector.broadcast %mul3A_320 : f32 to vector<16xf32>
        %mul3A_322 = arith.mulf %min3A_319, %mul3A_321 : vector<16xf32>
        %convert_element_type3A_323 = arith.fptosi %mul3A_322 : vector<16xf32> to vector<16xi32>
        %shift_right_arithmetic3A = arith.constant 7 : i32
        %shift_right_arithmetic3A_324 = vector.broadcast %shift_right_arithmetic3A : i32 to vector<16xi32>
        %shift_right_arithmetic3A_325 = arith.shrsi %add3A_309, %shift_right_arithmetic3A_324 : vector<16xi32>
        %and3A_326 = arith.constant 127 : i32
        %and3A_327 = vector.broadcast %and3A_326 : i32 to vector<16xi32>
        %and3A_328 = arith.andi %add3A_309, %and3A_327 : vector<16xi32>
        %mul3A_329 = arith.constant 16 : i32
        %mul3A_330 = arith.muli %scan3A_305, %mul3A_329 : i32
        %add3A_331 = arith.constant 512 : i32
        %add3A_332 = arith.addi %add3A_331, %mul3A_330 : i32
        %get3A_333 = arith.index_cast %add3A_332 : i32 to index
        %get3A_334 = tpu.vector_load %arg8[%get3A_333] {strides = array<i32>} : memref<1024xi32, #tpu.memory_space<vmem>>, vector<16xi32>,
        %shift_right_arithmetic3A_335 = arith.constant 3 : i32
        %shift_right_arithmetic3A_336 = vector.broadcast %shift_right_arithmetic3A_335 : i32 to vector<16xi32>
        %shift_right_arithmetic3A_337 = arith.shrsi %get3A_334, %shift_right_arithmetic3A_336 : vector<16xi32>
        %and3A_338 = arith.constant 7 : i32
        %and3A_339 = vector.broadcast %and3A_338 : i32 to vector<16xi32>
        %and3A_340 = arith.andi %get3A_334, %and3A_339 : vector<16xi32>
        tpu.vector_store_idx %arg7[%broadcast_in_dim3A_265, %shift_right_arithmetic3A_337, %shift_right_arithmetic3A_325, %and3A_340, %and3A_328], %broadcast_in_dim3A_54 : memref<2x8x4x8x128xf32, #tpu.memory_space<vmem>>[vector<16xi32>, vector<16xi32>, vector<16xi32>, vector<16xi32>, vector<16xi32>], vector<16xf32>,
        %shift_right_arithmetic3A_341 = arith.constant 3 : i32
        %shift_right_arithmetic3A_342 = vector.broadcast %shift_right_arithmetic3A_341 : i32 to vector<16xi32>
        %shift_right_arithmetic3A_343 = arith.shrsi %convert_element_type3A_323, %shift_right_arithmetic3A_342 : vector<16xi32>
        %and3A_344 = arith.constant 7 : i32
        %and3A_345 = vector.broadcast %and3A_344 : i32 to vector<16xi32>
        %and3A_346 = arith.andi %convert_element_type3A_323, %and3A_345 : vector<16xi32>
        tpu.vector_store_idx %arg7[%broadcast_in_dim3A_265, %shift_right_arithmetic3A_343, %shift_right_arithmetic3A_325, %and3A_346, %and3A_328], %broadcast_in_dim3A_52 : memref<2x8x4x8x128xf32, #tpu.memory_space<vmem>>[vector<16xi32>, vector<16xi32>, vector<16xi32>, vector<16xi32>, vector<16xi32>], vector<16xf32>,
        %swap3A = arith.index_cast %add3A_332 : i32 to index
        %swap3A_347 = tpu.vector_load %arg8[%swap3A] {strides = array<i32>} : memref<1024xi32, #tpu.memory_space<vmem>>, vector<16xi32>,
        tpu.vector_store %arg8[%swap3A], %convert_element_type3A_323 {strides = array<i32>} : memref<1024xi32, #tpu.memory_space<vmem>>, vector<16xi32>,
      }
      %scan3A_276 = arith.constant 32 : i32
      %mul3A_277 = arith.constant 4 : i32
      %mul3A_278 = arith.muli %select_n3A_263, %mul3A_277 : i32
      %dma_start3A_279 = arith.constant 1 : i32
      %dma_start3A_280 = arith.constant 1 : i32
      %dma_start3A_281 = arith.constant 0 : i32
      %dma_start3A_282 = arith.constant 0 : i32
      %dma_start3A_283 = arith.constant 0 : i32
      %dma_start3A_284 = arith.constant 0 : i32
      %dma_start3A_285 = tpu.memref_slice %arg7[%dma_start3A_279, %dma_start3A_281, %dma_start3A_282, %dma_start3A_283, %dma_start3A_284] : memref<2x8x4x8x128xf32, #tpu.memory_space<vmem>> -> memref<1x8x4x8x128xf32, #tpu.memory_space<vmem>>
      %dma_start3A_286 = tpu.memref_squeeze %dma_start3A_285 : memref<1x8x4x8x128xf32, #tpu.memory_space<vmem>> -> memref<8x4x8x128xf32, #tpu.memory_space<vmem>>
      %dma_start3A_287 = arith.constant 0 : i32
      %dma_start3A_288 = arith.constant 0 : i32
      %dma_start3A_289 = arith.constant 0 : i32
      %dma_start3A_290 = tpu.memref_slice %arg4[%add3A_247, %dma_start3A_287, %mul3A_278, %dma_start3A_288, %dma_start3A_289] : memref<640x8x8x8x128xf32, #tpu.memory_space<hbm>> -> memref<1x8x4x8x128xf32, #tpu.memory_space<hbm>>
      %dma_start3A_291 = tpu.memref_squeeze %dma_start3A_290 : memref<1x8x4x8x128xf32, #tpu.memory_space<hbm>> -> memref<8x4x8x128xf32, #tpu.memory_space<hbm>>
      %dma_start3A_292 = tpu.memref_slice %arg10[%dma_start3A_280] : memref<2x!tpu.dma_semaphore, #tpu.memory_space<semaphore_mem>> -> memref<1x!tpu.dma_semaphore, #tpu.memory_space<semaphore_mem>>
      %dma_start3A_293 = tpu.memref_squeeze %dma_start3A_292 : memref<1x!tpu.dma_semaphore, #tpu.memory_space<semaphore_mem>> -> memref<!tpu.dma_semaphore, #tpu.memory_space<semaphore_mem>>
      %dma_start3A_294 = arith.constant 0 : i32
      %dma_start3A_295 = arith.constant 0 : i32
      %dma_start3A_296 = arith.constant 0 : i32
      %dma_start3A_297 = tpu.memref_slice %arg4[%add3A_247, %dma_start3A_294, %mul3A_278, %dma_start3A_295, %dma_start3A_296] : memref<640x8x8x8x128xf32, #tpu.memory_space<hbm>> -> memref<1x8x4x8x128xf32, #tpu.memory_space<hbm>>
      %dma_start3A_298 = tpu.memref_squeeze %dma_start3A_297 : memref<1x8x4x8x128xf32, #tpu.memory_space<hbm>> -> memref<8x4x8x128xf32, #tpu.memory_space<hbm>>
      %dma_start3A_299 = arith.constant 0 : i32
      %dma_start3A_300 = arith.constant 0 : i32
      %dma_start3A_301 = arith.constant 0 : i32
      %dma_start3A_302 = arith.constant 0 : i32
      %dma_start3A_303 = tpu.memref_slice %arg7[%dma_start3A_279, %dma_start3A_299, %dma_start3A_300, %dma_start3A_301, %dma_start3A_302] : memref<2x8x4x8x128xf32, #tpu.memory_space<vmem>> -> memref<1x8x4x8x128xf32, #tpu.memory_space<vmem>>
      %dma_start3A_304 = tpu.memref_squeeze %dma_start3A_303 : memref<1x8x4x8x128xf32, #tpu.memory_space<vmem>> -> memref<8x4x8x128xf32, #tpu.memory_space<vmem>>
      tpu.enqueue_dma source(%dma_start3A_304 : memref<8x4x8x128xf32, #tpu.memory_space<vmem>>) target(%dma_start3A_298 : memref<8x4x8x128xf32, #tpu.memory_space<hbm>>) target_semaphore(%dma_start3A_293 : memref<!tpu.dma_semaphore, #tpu.memory_space<semaphore_mem>>)
    }
    %scan3A_60 = arith.constant 20 : i32
    %mul3A_61 = arith.constant 20 : i32
    %mul3A_62 = arith.muli %add3A, %mul3A_61 : i32
    %dma_wait3A_63 = arith.constant 0 : i32
    %dma_wait3A_64 = arith.constant 0 : i32
    %dma_wait3A_65 = arith.constant 0 : i32
    %dma_wait3A_66 = arith.constant 0 : i32
    %dma_wait3A_67 = arith.constant 0 : i32
    %dma_wait3A_68 = arith.constant 0 : i32
    %dma_wait3A_69 = tpu.memref_slice %arg7[%dma_wait3A_63, %dma_wait3A_65, %dma_wait3A_66, %dma_wait3A_67, %dma_wait3A_68] : memref<2x8x4x8x128xf32, #tpu.memory_space<vmem>> -> memref<1x8x4x8x128xf32, #tpu.memory_space<vmem>>
    %dma_wait3A_70 = tpu.memref_squeeze %dma_wait3A_69 : memref<1x8x4x8x128xf32, #tpu.memory_space<vmem>> -> memref<8x4x8x128xf32, #tpu.memory_space<vmem>>
    %dma_wait3A_71 = arith.constant 0 : i32
    %dma_wait3A_72 = arith.constant 0 : i32
    %dma_wait3A_73 = arith.constant 0 : i32
    %dma_wait3A_74 = arith.constant 0 : i32
    %dma_wait3A_75 = tpu.memref_slice %arg4[%mul3A_62, %dma_wait3A_71, %dma_wait3A_72, %dma_wait3A_73, %dma_wait3A_74] : memref<640x8x8x8x128xf32, #tpu.memory_space<hbm>> -> memref<1x8x4x8x128xf32, #tpu.memory_space<hbm>>
    %dma_wait3A_76 = tpu.memref_squeeze %dma_wait3A_75 : memref<1x8x4x8x128xf32, #tpu.memory_space<hbm>> -> memref<8x4x8x128xf32, #tpu.memory_space<hbm>>
    %dma_wait3A_77 = tpu.memref_slice %arg10[%dma_wait3A_64] : memref<2x!tpu.dma_semaphore, #tpu.memory_space<semaphore_mem>> -> memref<1x!tpu.dma_semaphore, #tpu.memory_space<semaphore_mem>>
    %dma_wait3A_78 = tpu.memref_squeeze %dma_wait3A_77 : memref<1x!tpu.dma_semaphore, #tpu.memory_space<semaphore_mem>> -> memref<!tpu.dma_semaphore, #tpu.memory_space<semaphore_mem>>
    %dma_wait3A_79 = arith.constant 0 : i32
    %dma_wait3A_80 = arith.constant 0 : i32
    %dma_wait3A_81 = arith.constant 0 : i32
    %dma_wait3A_82 = arith.constant 0 : i32
    %dma_wait3A_83 = tpu.memref_slice %arg4[%mul3A_62, %dma_wait3A_79, %dma_wait3A_80, %dma_wait3A_81, %dma_wait3A_82] : memref<640x8x8x8x128xf32, #tpu.memory_space<hbm>> -> memref<1x8x4x8x128xf32, #tpu.memory_space<hbm>>
    %dma_wait3A_84 = tpu.memref_squeeze %dma_wait3A_83 : memref<1x8x4x8x128xf32, #tpu.memory_space<hbm>> -> memref<8x4x8x128xf32, #tpu.memory_space<hbm>>
    %dma_wait3A_85 = arith.constant 0 : i32
    %dma_wait3A_86 = arith.constant 0 : i32
    %dma_wait3A_87 = arith.constant 0 : i32
    %dma_wait3A_88 = arith.constant 0 : i32
    %dma_wait3A_89 = tpu.memref_slice %arg7[%dma_wait3A_63, %dma_wait3A_85, %dma_wait3A_86, %dma_wait3A_87, %dma_wait3A_88] : memref<2x8x4x8x128xf32, #tpu.memory_space<vmem>> -> memref<1x8x4x8x128xf32, #tpu.memory_space<vmem>>
    %dma_wait3A_90 = tpu.memref_squeeze %dma_wait3A_89 : memref<1x8x4x8x128xf32, #tpu.memory_space<vmem>> -> memref<8x4x8x128xf32, #tpu.memory_space<vmem>>
    tpu.wait_dma2 semaphore(%dma_wait3A_78 : memref<!tpu.dma_semaphore, #tpu.memory_space<semaphore_mem>>) src(%dma_wait3A_90 : memref<8x4x8x128xf32, #tpu.memory_space<vmem>>) dst(%dma_wait3A_84 : memref<8x4x8x128xf32, #tpu.memory_space<hbm>>)
    %mul3A_91 = arith.constant 20 : i32
    %mul3A_92 = arith.muli %add3A, %mul3A_91 : i32
    %dma_wait3A_93 = arith.constant 1 : i32
    %dma_wait3A_94 = arith.constant 1 : i32
    %dma_wait3A_95 = arith.constant 0 : i32
    %dma_wait3A_96 = arith.constant 0 : i32
    %dma_wait3A_97 = arith.constant 0 : i32
    %dma_wait3A_98 = arith.constant 0 : i32
    %dma_wait3A_99 = tpu.memref_slice %arg7[%dma_wait3A_93, %dma_wait3A_95, %dma_wait3A_96, %dma_wait3A_97, %dma_wait3A_98] : memref<2x8x4x8x128xf32, #tpu.memory_space<vmem>> -> memref<1x8x4x8x128xf32, #tpu.memory_space<vmem>>
    %dma_wait3A_100 = tpu.memref_squeeze %dma_wait3A_99 : memref<1x8x4x8x128xf32, #tpu.memory_space<vmem>> -> memref<8x4x8x128xf32, #tpu.memory_space<vmem>>
    %dma_wait3A_101 = arith.constant 0 : i32
    %dma_wait3A_102 = arith.constant 4 : i32
    %dma_wait3A_103 = arith.constant 0 : i32
    %dma_wait3A_104 = arith.constant 0 : i32
    %dma_wait3A_105 = tpu.memref_slice %arg4[%mul3A_92, %dma_wait3A_101, %dma_wait3A_102, %dma_wait3A_103, %dma_wait3A_104] : memref<640x8x8x8x128xf32, #tpu.memory_space<hbm>> -> memref<1x8x4x8x128xf32, #tpu.memory_space<hbm>>
    %dma_wait3A_106 = tpu.memref_squeeze %dma_wait3A_105 : memref<1x8x4x8x128xf32, #tpu.memory_space<hbm>> -> memref<8x4x8x128xf32, #tpu.memory_space<hbm>>
    %dma_wait3A_107 = tpu.memref_slice %arg10[%dma_wait3A_94] : memref<2x!tpu.dma_semaphore, #tpu.memory_space<semaphore_mem>> -> memref<1x!tpu.dma_semaphore, #tpu.memory_space<semaphore_mem>>
    %dma_wait3A_108 = tpu.memref_squeeze %dma_wait3A_107 : memref<1x!tpu.dma_semaphore, #tpu.memory_space<semaphore_mem>> -> memref<!tpu.dma_semaphore, #tpu.memory_space<semaphore_mem>>
    %dma_wait3A_109 = arith.constant 0 : i32
    %dma_wait3A_110 = arith.constant 4 : i32
    %dma_wait3A_111 = arith.constant 0 : i32
    %dma_wait3A_112 = arith.constant 0 : i32
    %dma_wait3A_113 = tpu.memref_slice %arg4[%mul3A_92, %dma_wait3A_109, %dma_wait3A_110, %dma_wait3A_111, %dma_wait3A_112] : memref<640x8x8x8x128xf32, #tpu.memory_space<hbm>> -> memref<1x8x4x8x128xf32, #tpu.memory_space<hbm>>
    %dma_wait3A_114 = tpu.memref_squeeze %dma_wait3A_113 : memref<1x8x4x8x128xf32, #tpu.memory_space<hbm>> -> memref<8x4x8x128xf32, #tpu.memory_space<hbm>>
    %dma_wait3A_115 = arith.constant 0 : i32
    %dma_wait3A_116 = arith.constant 0 : i32
    %dma_wait3A_117 = arith.constant 0 : i32
    %dma_wait3A_118 = arith.constant 0 : i32
    %dma_wait3A_119 = tpu.memref_slice %arg7[%dma_wait3A_93, %dma_wait3A_115, %dma_wait3A_116, %dma_wait3A_117, %dma_wait3A_118] : memref<2x8x4x8x128xf32, #tpu.memory_space<vmem>> -> memref<1x8x4x8x128xf32, #tpu.memory_space<vmem>>
    %dma_wait3A_120 = tpu.memref_squeeze %dma_wait3A_119 : memref<1x8x4x8x128xf32, #tpu.memory_space<vmem>> -> memref<8x4x8x128xf32, #tpu.memory_space<vmem>>
    tpu.wait_dma2 semaphore(%dma_wait3A_108 : memref<!tpu.dma_semaphore, #tpu.memory_space<semaphore_mem>>) src(%dma_wait3A_120 : memref<8x4x8x128xf32, #tpu.memory_space<vmem>>) dst(%dma_wait3A_114 : memref<8x4x8x128xf32, #tpu.memory_space<hbm>>)
    %add3A_121 = arith.constant 0 : i32
    %add3A_122 = arith.addi %mul3A_2, %add3A_121 : i32
    %dma_wait3A_123 = tpu.memref_slice %arg5[%add3A_122] : memref<655360xf32, #tpu.memory_space<hbm>> -> memref<4096xf32, #tpu.memory_space<hbm>>
    %dma_wait3A_124 = tpu.memref_slice %arg5[%add3A_122] : memref<655360xf32, #tpu.memory_space<hbm>> -> memref<4096xf32, #tpu.memory_space<hbm>>
    tpu.wait_dma2 semaphore(%arg11 : memref<!tpu.dma_semaphore, #tpu.memory_space<semaphore_mem>>) src(%arg9 : memref<4096xf32, #tpu.memory_space<vmem>>) dst(%dma_wait3A_124 : memref<4096xf32, #tpu.memory_space<hbm>>)
    %add3A_125 = arith.constant 4096 : i32
    %add3A_126 = arith.addi %mul3A_2, %add3A_125 : i32
    %dma_wait3A_127 = tpu.memref_slice %arg5[%add3A_126] : memref<655360xf32, #tpu.memory_space<hbm>> -> memref<4096xf32, #tpu.memory_space<hbm>>
    %dma_wait3A_128 = tpu.memref_slice %arg5[%add3A_126] : memref<655360xf32, #tpu.memory_space<hbm>> -> memref<4096xf32, #tpu.memory_space<hbm>>
    tpu.wait_dma2 semaphore(%arg11 : memref<!tpu.dma_semaphore, #tpu.memory_space<semaphore_mem>>) src(%arg9 : memref<4096xf32, #tpu.memory_space<vmem>>) dst(%dma_wait3A_128 : memref<4096xf32, #tpu.memory_space<hbm>>)
    %add3A_129 = arith.constant 8192 : i32
    %add3A_130 = arith.addi %mul3A_2, %add3A_129 : i32
    %dma_wait3A_131 = tpu.memref_slice %arg5[%add3A_130] : memref<655360xf32, #tpu.memory_space<hbm>> -> memref<4096xf32, #tpu.memory_space<hbm>>
    %dma_wait3A_132 = tpu.memref_slice %arg5[%add3A_130] : memref<655360xf32, #tpu.memory_space<hbm>> -> memref<4096xf32, #tpu.memory_space<hbm>>
    tpu.wait_dma2 semaphore(%arg11 : memref<!tpu.dma_semaphore, #tpu.memory_space<semaphore_mem>>) src(%arg9 : memref<4096xf32, #tpu.memory_space<vmem>>) dst(%dma_wait3A_132 : memref<4096xf32, #tpu.memory_space<hbm>>)
    %add3A_133 = arith.constant 12288 : i32
    %add3A_134 = arith.addi %mul3A_2, %add3A_133 : i32
    %dma_wait3A_135 = tpu.memref_slice %arg5[%add3A_134] : memref<655360xf32, #tpu.memory_space<hbm>> -> memref<4096xf32, #tpu.memory_space<hbm>>
    %dma_wait3A_136 = tpu.memref_slice %arg5[%add3A_134] : memref<655360xf32, #tpu.memory_space<hbm>> -> memref<4096xf32, #tpu.memory_space<hbm>>
    tpu.wait_dma2 semaphore(%arg11 : memref<!tpu.dma_semaphore, #tpu.memory_space<semaphore_mem>>) src(%arg9 : memref<4096xf32, #tpu.memory_space<vmem>>) dst(%dma_wait3A_136 : memref<4096xf32, #tpu.memory_space<hbm>>)
    %add3A_137 = arith.constant 16384 : i32
    %add3A_138 = arith.addi %mul3A_2, %add3A_137 : i32
    %dma_wait3A_139 = tpu.memref_slice %arg5[%add3A_138] : memref<655360xf32, #tpu.memory_space<hbm>> -> memref<4096xf32, #tpu.memory_space<hbm>>
    %dma_wait3A_140 = tpu.memref_slice %arg5[%add3A_138] : memref<655360xf32, #tpu.memory_space<hbm>> -> memref<4096xf32, #tpu.memory_space<hbm>>
    tpu.wait_dma2 semaphore(%arg11 : memref<!tpu.dma_semaphore, #tpu.memory_space<semaphore_mem>>) src(%arg9 : memref<4096xf32, #tpu.memory_space<vmem>>) dst(%dma_wait3A_140 : memref<4096xf32, #tpu.memory_space<hbm>>)
    return
  }
}

</mosaic_0001>

<sc_bundles>
// kernel: kernel.3.cloned.1.call-start
scs
__scs_entry_jumppad:
0x0: {  	(pc) =	sbr.rel $0x88, $3  }
0x1: {  	(tag) =	ssettag $0x0;
	lr =	simm.s32 $0x1  }
0x2: {  	[smem:$0x3FA0] =	sst lr;
	_ =	strace $0xD0000000  }
0x3: {  	_ = 	snop  }
0x4: {  	_ = 	snop  }
0x5: {  	_ = 	snop  }
0x6: {  	_ = 	snop  }
0x7: {  	_ = 	snop  }
__scs_overlays_trampoline_lowered:
0x8: {  	[smem:$0x3FAF] =	sst s0  }
0x9: {  	[smem:$0x3FB0] =	sst s1  }
0xa: {  	[smem:$0x3FB1] =	sst s2  }
0xb: {  	[smem:$0x3FB2] =	sst s3  }
0xc: {  	[smem:$0x3FB3] =	sst s4  }
0xd: {  	[smem:$0x3FB4] =	sst s5  }
0xe: {  	[smem:$0x3FB5] =	sst s6  }
0xf: {  	[smem:$0x3FB6] =	sst s7  }
0x10: {  	[smem:$0x3FB7] =	sst s8  }
0x11: {  	[smem:$0x3FB8] =	sst s9;
	s0 =	simm.s32 @!p0 $0x0  }
0x12: {  	s1 =	sld [smem:$0x3F9E];
	s0 =	simm.s32 @p0 $0x1  }
0x13: {  	[smem:$0x3FB9] =	sst s0;
	s0 =	simm.s32 @!p1 $0x0  }
0x14: {  	s2 =	sld [smem:$0x3F9D];
	s0 =	simm.s32 @p1 $0x1  }
0x15: {  	[smem:$0x3FBA] =	sst s0;
	s0 =	simm.s32 @!p2 $0x0  }
0x16: {  	s3 =	sld [smem:$0x3FDB];
	s0 =	simm.s32 @p2 $0x1  }
0x17: {  	s4 =	simm.s32 $0x1BF5;
	[smem:$0x3FBC] =	sst s0  }
0x18: {  	s0 =	sld [smem:$0x3F9F];
	_ =	swait.ge [sflag:s4], $0x0  }
0x19: {  	s7 =	sld [smem:$0x3FA0]  }
0x1a: {  	s8 =	sadd.s32 $0xFFFFE003, lr  }
0x1b: {  	s9 =	sadd.s32 $0xFFFFFEF7, lr;
	s5 =	simm.s32 $0xFFFFFFFF;
	p2 =	slt.u32 s8, $0xFFFFF086  }
0x1c: {  	p1 =	slt.u32 s9, $0xF7A;
	s5 =	simm.s32 @!p2 $0x0  }
0x1d: {  	s5 =	simm.s32 @p1 $0x1;
	p0 =	seq.s32 s7, s2  }
0x1e: {  	s7 =	smul.u32 @!p0 $0xF7A, s2;
	p2 =	seq.s32 @!p0 s5, $0x0  }
0x1f: {  	s9 =	smul.u32 $0xF7A, s1;
	s8 =	simm.s32 @!p0 $0x1BF5;
	p2 =	por !p2, p0  }
0x20: {  	[sflag:s8] =	ssyncset.s32 @!p0 $0xFFFFF086;
	s6 =	sadd.s32 @!p0 s3, s7;
	s7 =	simm.s32 @!p0 $0x108  }
0x21: {  	s3 =	sadd.s32 s3, s9;
	s6 =	sadd.s32 @!p0 $0x88, s6;
	s7 =	simm.s32 @p2 $0x1082  }
0x22: {  	[simem:s7], [sflag:s8] =	dma.local @!p0 [hbm:s6], $0xF7A  }
0x23: {  	s9 =	sor.u32 $0xD0000000, s2;
	s6 =	simm.s32 $0x108;
	_ =	swait.ge @!p0 [sflag:s8], $0x0  }
0x24: {  	s3 =	sadd.s32 $0x88, s3;
	s6 =	simm.s32 @!p1 $0x1082;
	[sflag:s4] =	ssyncset.s32 $0xFFFFF086  }
0x25: {  	[simem:s6], [sflag:s4] =	dma.local [hbm:s3], $0xF7A  }
0x26: {  	[smem:$0x3FA0] =	sst s1;
	(tag) =	ssettag s2;
	_ =	strace s9  }
0x27: {  	s1 =	sld [smem:$0x3FB0]  }
0x28: {  	s2 =	sld [smem:$0x3FB1]  }
0x29: {  	s4 =	sld [smem:$0x3FB3]  }
0x2a: {  	p0 =	seq.s32 s5, $0x0;
	s5 =	sld [smem:$0x3FB4]  }
0x2b: {  	s6 =	sld [smem:$0x3FB5]  }
0x2c: {  	s7 =	sld [smem:$0x3FB6]  }
0x2d: {  	s3 =	simm.s32 $0x108;
	s8 =	sld [smem:$0x3FB7]  }
0x2e: {  	s3 =	simm.s32 @!p0 $0x1082;
	s9 =	sld [smem:$0x3FB8]  }
0x2f: {  	lr =	sadd.s32 s0, s3;
	s0 =	sld [smem:$0x3FAF]  }
0x30: {  	s3 =	sld [smem:$0x3FB2]  }
0x31: {  	[smem:$0x3FBB] =	sst s10  }
0x32: {  	s10 =	sld [smem:$0x3FB9];
	_ =	sdelay $0x3  }
0x33: {  	p0 =	seq.s32 s10, $0x1;
	s10 =	sld [smem:$0x3FBB];
	_ =	sdelay $0x3  }
0x34: {  	[smem:$0x3FBB] =	sst s10  }
0x35: {  	s10 =	sld [smem:$0x3FBA];
	_ =	sdelay $0x3  }
0x36: {  	p1 =	seq.s32 s10, $0x1;
	s10 =	sld [smem:$0x3FBB];
	_ =	sdelay $0x3  }
0x37: {  	[smem:$0x3FBB] =	sst s10  }
0x38: {  	s10 =	sld [smem:$0x3FBC]  }
0x39: {  	_ = 	snop;
	(pc) =	sbr.ind lr, $3  }
0x3a: {  	_ = 	snop  }
0x3b: {  	_ = 	snop  }
0x3c: {  	p2 =	seq.s32 s10, $0x1;
	s10 =	sld [smem:$0x3FBB]  }
0x3d: {  	_ =	shalt  }
0x3e: {  	_ =	shalt  }
0x3f: {  	_ =	shalt  }
0x40: {  	_ =	shalt  }
0x41: {  	_ =	shalt  }
0x42: {  	_ =	shalt  }
0x43: {  	_ =	shalt  }
0x44: {  	_ =	shalt  }
0x45: {  	_ =	shalt  }
0x46: {  	_ =	shalt  }
0x47: {  	_ =	shalt  }
0x48: {  	_ =	shalt  }
0x49: {  	_ =	shalt  }
0x4a: {  	_ =	shalt  }
0x4b: {  	_ =	shalt  }
0x4c: {  	_ =	shalt  }
0x4d: {  	_ =	shalt  }
0x4e: {  	_ =	shalt  }
0x4f: {  	_ =	shalt  }
0x50: {  	_ =	shalt  }
0x51: {  	_ =	shalt  }
0x52: {  	_ =	shalt  }
0x53: {  	_ =	shalt  }
0x54: {  	_ =	shalt  }
0x55: {  	_ =	shalt  }
0x56: {  	_ =	shalt  }
0x57: {  	_ =	shalt  }
0x58: {  	_ =	shalt  }
0x59: {  	_ =	shalt  }
0x5a: {  	_ =	shalt  }
0x5b: {  	_ =	shalt  }
0x5c: {  	_ =	shalt  }
0x5d: {  	_ =	shalt  }
0x5e: {  	_ =	shalt  }
0x5f: {  	_ =	shalt  }
0x60: {  	_ =	shalt  }
0x61: {  	_ =	shalt  }
0x62: {  	_ =	shalt  }
0x63: {  	_ =	shalt  }
0x64: {  	_ =	shalt  }
0x65: {  	_ =	shalt  }
0x66: {  	_ =	shalt  }
0x67: {  	_ =	shalt  }
0x68: {  	_ =	shalt  }
0x69: {  	_ =	shalt  }
0x6a: {  	_ =	shalt  }
0x6b: {  	_ =	shalt  }
0x6c: {  	_ =	shalt  }
0x6d: {  	_ =	shalt  }
0x6e: {  	_ =	shalt  }
0x6f: {  	_ =	shalt  }
0x70: {  	_ =	shalt  }
0x71: {  	_ =	shalt  }
0x72: {  	_ =	shalt  }
0x73: {  	_ =	shalt  }
0x74: {  	_ =	shalt  }
0x75: {  	_ =	shalt  }
0x76: {  	_ =	shalt  }
0x77: {  	_ =	shalt  }
0x78: {  	_ =	shalt  }
0x79: {  	_ =	shalt  }
0x7a: {  	_ =	shalt  }
0x7b: {  	_ =	shalt  }
0x7c: {  	_ =	shalt  }
0x7d: {  	_ =	shalt  }
0x7e: {  	_ =	shalt  }
0x7f: {  	_ =	shalt  }
0x80: {  	_ =	shalt  }
0x81: {  	_ =	shalt  }
0x82: {  	_ =	shalt  }
0x83: {  	_ =	shalt  }
0x84: {  	_ =	shalt  }
0x85: {  	_ =	shalt  }
0x86: {  	_ =	shalt  }
0x87: {  	_ =	shalt  }
.Lfunc_end0:
.L_simem_size_0:
called_computation_lowered:
.L_overlay_start_0:
0x88: {  	s2 =	sld [smem:$0x3FD9]  }
0x89: {  	s3 =	sld [smem:$0x3FFE];
	_ =	sdelay $0x1  }
0x8a: {  	s1 =	srdreg.scid  }
0x8b: {  	s0 =	sand.u32 $0x1, s1  }
0x8c: {  	s14 =	sshll.u32 s0, $0xA;
	s2 =	sadd.s32 s3, s2  }
0x8d: {  	s2 =	sadd.s32 s2, s14  }
0x8e: {  	[smem:$0x3FC7] =	sst s2  }
0x8f: {  	_ = 	snop  }
0x90: {  	s2 =	sld [smem:$0x3FD0];
	_ =	sdelay $0x2  }
0x91: {  	s15 =	simm.s32 $0xA;
	s4 =	simm.s32 $0x10  }
0x92: {  	[smem:s4], [sflag:s15] =	dma.local [hbm:s2], $0x1  }
0x93: {  	_ =	swait.eq [sflag:s15], $0x1  }
0x94: {  	[sflag:s15] =	ssyncset.done $0x0  }
0x95: {  	s16 =	sld [smem:$0x10];
	[sflag:s15] =	ssyncadd.s32 $0xFFFFFFFF  }
0x96: {  	s17 =	sld [smem:$0x11];
	(tm) =	ssettm $0x1  }
0x97: {  	s18 =	sld [smem:$0x3FFB];
	_ =	sdelay $0x3  }
0x98: {  	_ =	strace s18  }
0x99: {  	s4 =	sld [smem:$0x3FFC];
	_ =	sdelay $0x3  }
0x9a: {  	_ =	strace s4  }
0x9b: {  	s4 =	sld [smem:$0x3FFD];
	_ =	sdelay $0x3  }
0x9c: {  	_ =	strace s4  }
0x9d: {  	_ =	strace $0x8FFFFFFF  }
0x9e: {  	s19 =	sld [smem:$0x3FDB];
	_ =	sdelay $0x1  }
0x9f: {  	s5 =	simm.s32 $_scs_section_size  }
0xa0: {  	s6 =	simm.s32 $_size__tile_overlayer_lowered;
	s7 =	simm.s32 $_tile_overlayer_lowered  }
0xa1: {  	s22 =	simm.s32 $0x1BFF;
	s21 =	sshll.u32 s7, $0x1;
	s4 =	sadd.s32 s5, s19  }
0xa2: {  	s8 =	simm.s32 $0x0;
	s20 =	sshll.u32 s6, $0x1;
	s6 =	sadd.s32 s21, s4  }
0xa3: {  	[timem:s8], [sflag:s22] =	dma.local [hbm:s6], s20  }
0xa4: {  	_ =	swait.ge [sflag:s22], s20  }
0xa5: {  	s5 =	ssub.s32 $0x0, s20;
	[sflag:s22] =	ssyncset.done $0x0  }
0xa6: {  	[sflag:s22] =	ssyncadd.s32 s5;
	_ =	sdelay $0x1  }
0xa7: {  	s23 =	simm.s32 $0x1B8B  }
0xa8: {  	_ =	swait.ge [sflag:s23], $0x1  }
0xa9: {  	[sflag:s23] =	ssyncset.done $0x0  }
0xaa: {  	s25 =	simm.s32 $0x1B8E;
	s24 =	sld [smem:$0x3FFE];
	[sflag:s23] =	ssyncadd.s32 $0xFFFFFFFF  }
0xab: {  	s26 =	simm.s32 $execute0_lowered;
	[smem:$0x3FD2] =	sst s25  }
0xac: {  	s6 =	sshll.u32 s26, $0x1;
	_ =	strace $0x80000046;
	[dreg:$0x1] =	wrdreg $0xFFFFFFFF  }
0xad: {  	s28 =	simm.s32 $_size_execute0_lowered;
	s4 =	sadd.s32 s4, s6;
	[dreg:$0x0] =	wrdreg $0x0  }
0xae: {  	s6 =	sshll.u32 s28, $0x1;
	[dreg:$0x2] =	wrdreg s4  }
0xaf: {  	[dreg:$0x3] =	wrdreg s6  }
0xb0: {  	[dreg:$0x4] =	wrdreg $0xC0  }
0xb1: {  	_ =	task [dreg:s8], $0x5FFFF  }
0xb2: {  	[dreg:$0x1] =	wrdreg $0xFFFFFFFF  }
0xb3: {  	[dreg:$0x0] =	wrdreg $0x60  }
0xb4: {  	[dreg:$0x2] =	wrdreg s17  }
0xb5: {  	[dreg:$0x3] =	wrdreg s24  }
0xb6: {  	[dreg:$0x4] =	wrdreg s16  }
0xb7: {  	[dreg:$0x5] =	wrdreg $0x9  }
0xb8: {  	_ =	task.clear_ibuf [dreg:s8], $0x6FFFF;
	_ =	strace $0x90000046  }
0xb9: {  	s29 =	simm.s32 $0x9;
	_ =	strace $0x80000048  }
0xba: {  	_ =	swait.ge [sflag:s29], $0x1  }
0xbb: {  	[sflag:s29] =	ssyncadd.s32 $0xFFFFFFFF  }
0xbc: {  	_ =	strace $0x90000048  }
0xbd: {  	_ =	sfence  }
0xbe: {  	s30 =	sld [smem:$0x0];
	_ =	sdelay $0x2  }
0xbf: {  	s31 =	sshll.u32 s1, $0xD;
	s1 =	sshrl.u32 s1, $0x2  }
0xc0: {  	s3 =	sand.u32 $0x4000, s31;
	s1 =	sadd.s32 s1, s30  }
0xc1: {  	s0 =	sor.u32 s3, s0;
	s1 =	sshll.u32 s1, $0x11  }
0xc2: {  	s0 =	sor.u32 s1, s0  }
0xc3: {  	s0 =	sadd.s32 $0x8F2B, s0  }
0xc4: {  	[sflag:s0] =	ssyncadd.remote.s32 $0x1  }
0xc5: {  	_ =	sfence.sel $0xFFFF  }
0xc6: {  	[dreg:$0x0] =	wrdreg $0xFFFFFFFF;
	(pc) =	sbr.abs _section_cstart, $3  }
0xc7: {  	[dreg:$0x1] =	wrdreg $0xFFFFFFFF  }
0xc8: {  	_ =	task.clear_ibuf [dreg:s8], $0x2FFFF;
	_ =	strace $0x9FFFFFFF  }
0xc9: {  	(tm) =	ssettm $0x7FFFFFFF  }
tec
execute0_lowered:
.L_overlay_start_1:
0x0: {  	(tag) =	ssettag $0x1  }
0x1: {  	s0 =	rddreg [dreg:$0x0];
	s1 =	srdreg.scid  }
0x2: {  	s2 =	stileid.u32;
	s5 =	rddreg [dreg:$0x1]  }
0x3: {  	s14 =	simm.s32 $0x5000;
	s15 =	simm.s32 $0x15400;
	s16 =	simm.s32 $0x1  }
0x4: {  	s17 =	simm.s32 $0x2;
	s18 =	simm.s32 $0x1000;
	s19 =	simm.s32 $0x2000  }
0x5: {  	s20 =	simm.s32 $0xD000;
	s21 =	simm.s32 $0x3;
	s22 =	simm.s32 $0x0  }
0x6: {  	s23 =	simm.s32 $0x0;
	s1 =	sand.u32 $0x1, s1;
	s3 =	sshll.u32 s2, $0x1  }
0x7: {  	s2 =	rddreg [dreg:$0x2];
	s11 =	sor.u32 s1, s3;
	s3 =	simm.s32 $0x0  }
0x8: {  	s1 =	ssub.s32 $0x2, s1;
	s12 =	sadd.s32 $0x200, s2;
	s4 =	smul.u32 $0x5000, s11  }
0x9: {  	[smem:$0x7FF] =	sst s3;
	s7 =	sshrl.u32 s1, $0x1;
	s11 =	smul.u32 $0x14, s11  }
0xa: {  	_ =	strace $0x80000047;
	s1 =	ssub.s32 s1, s7;
	s6 =	sshrl.u32 s4, $0x3  }
0xb: {  	s4 =	sadd.s32 $0x800, s5;
	s13 =	smax.u32 s1, $0x1;
	s10 =	sadd.s32 s6, s5  }
0xc: {  	v0 =	vimm.s32 $0x0;
	s5 =	sadd.s32 s0, s6;
	s6 =	sadd.s32 $0x2800, s10;
	s7 =	sadd.s32 $0x2A00, s10  }
0xd: {  	v1 =	vimm.f32 $1.000000000e+00;
	v2 =	vlaneseq.u32;
	v3 =	vimm.f32 $0.0e+00;
	s8 =	sadd.s32 $0x2C00, s10;
	s9 =	sadd.s32 $0x2E00, s10;
	s10 =	sadd.s32 $0x3000, s10  }
.LBB2_1:
0xe: {  	[tilespmem:s3], [sflag:$0x1] =	stream.linear.gather [hbm4b:s5+s3], $0x5000, $0x38;
	[tilespmem:$0x16400] =	vst v63  }
0xf: {  	s0 =	simm.s32 $0x0  }
0x10: {  	[tilespmem:s14], [sflag:$0x2] =	stream.linear.gather [hbm4b:s4+s3], $0x10000, $0x38;
	[tilespmem:$0x16400] =	vst v63  }
.LBB2_2:
0x11: {  	p0 =	sne.s32 s0, $0xFC0  }
.Ltmp0:
0x12: {  	_ = 	snop;
	(pc) =	sbr.rel @p0 .LBB2_2-.Ltmp0, $3  }
0x13: {  	_ =	sdelay $0x1  }
0x14: {  	s1 =	sshra.s32 s0, $0x2  }
0x15: {  	s0 =	sadd.s32 $0x40, s0;
	[tilespmem:s1+$0x15000] =	vst v0  }
0x16: {  	s1 =	simm.s32 $0x40;
	s0 =	simm.s32 $0x0  }
.LBB2_4:
0x17: {  	p0 =	sne.s32 s1, $0x3FC0;
	[tilespmem:s0+$0x15400] =	vst v1;
	s0 =	smov.u32 s1;
	s1 =	sadd.s32 $0x40, s1  }
.Ltmp1:
0x18: {  	(pc) =	sbr.rel @p0 .LBB2_4-.Ltmp1, $2  }
0x19: {  	_ =	sdelay $0x2  }
0x1a: {  	s0 =	sshra.s32 s0, $0x2  }
0x1b: {  	[tilespmem:s0+$0x15400] =	vst v1  }
0x1c: {  	[hbm4b:s6+s23] =	stream.linear.scatter [tilespmem:s15], [sflag:$0x3], $0x1000, $0x38;
	[tilespmem:$0x16400] =	vst v63  }
0x1d: {  	_ = 	snop  }
0x1e: {  	[hbm4b:s7+s23] =	stream.linear.scatter [tilespmem:s15], [sflag:$0x3], $0x1000, $0x38;
	[tilespmem:$0x16400] =	vst v63  }
0x1f: {  	_ = 	snop  }
0x20: {  	[hbm4b:s8+s23] =	stream.linear.scatter [tilespmem:s15], [sflag:$0x3], $0x1000, $0x38;
	[tilespmem:$0x16400] =	vst v63  }
0x21: {  	_ = 	snop  }
0x22: {  	[hbm4b:s9+s23] =	stream.linear.scatter [tilespmem:s15], [sflag:$0x3], $0x1000, $0x38;
	[tilespmem:$0x16400] =	vst v63  }
0x23: {  	_ = 	snop  }
0x24: {  	[hbm4b:s10+s23] =	stream.linear.scatter [tilespmem:s15], [sflag:$0x3], $0x1000, $0x38;
	[tilespmem:$0x16400] =	vst v63  }
0x25: {  	_ =	swait.ge [sflag:s16], $0x5000  }
0x26: {  	[sflag:s16] =	ssyncset.done $0x0  }
0x27: {  	[sflag:s16] =	ssyncadd.s32 $0xFFFFB000  }
0x28: {  	_ =	swait.ge [sflag:s17], $0x10000  }
0x29: {  	[sflag:s17] =	ssyncset.done $0x0  }
0x2a: {  	s24 =	simm.s32 $0x0;
	[sflag:s17] =	ssyncadd.s32 $0xFFFF0000  }
.LBB2_6:
0x2b: {  	p0 =	seq.s32 s24, $0x0  }
0x2c: {  	s1 =	sshll.u32 s24, $0xA;
	s0 =	simm.s32 @!p0 $0x1  }
0x2d: {  	s25 =	sand.u32 $0x3FFFFC00, s1;
	s1 =	sand.u32 $0x180, s23;
	_ =	swait.ge @!p0 [sflag:s0], $0x8000  }
0x2e: {  	s26 =	sand.u32 $0x70, s23;
	s1 =	sadd.s32 s1, s25;
	[sflag:s0] =	ssyncset.done @!p0 $0x0  }
0x2f: {  	s26 =	sadd.s32 s26, s1;
	[sflag:s0] =	ssyncadd.s32 @!p0 $0xFFFF8000  }
0x30: {  	v4 =	vld [tilespmem:s26+$0x0];
	_ =	sdelay $0x3  }
0x31: {  	s28 =	simm.s32 $0x15000  }
0x32: {  	v5 =	vld [tilespmem:s28+$0x0];
	v4 =	vmax.f32 v4, $9.999999970e-07  }
0x33: {  	v4 =	vmin.f32 v4, $9.999989860e-01  }
0x34: {  	v4 =	vmul.f32 $6.400000000e+01, v4;
	_ =	sdelay $0x1  }
0x35: {  	v6 =	vmov s23;
	v7 =	vor.u32 s23, v2;
	v4 =	vtrunc.f32 v4  }
0x36: {  	v6 =	vshll.u32 v6, $0x3;
	v8 =	vshll.u32 v5, $0x9;
	v4 =	vcvt.f32.s32 v4  }
0x37: {  	v6 =	vand.u32 $0xC00, v6;
	v5 =	vshll.u32 v5, $0x7;
	v8 =	vand.u32 $0xFFFFF000, v8  }
0x38: {  	v5 =	vand.u32 $0x380, v5;
	v9 =	vshll.u32 v4, $0x9;
	v10 =	vshll.u32 v4, $0x7  }
0x39: {  	v5 =	vor.u32 v8, v5;
	v62 =	vand.u32 $0xFFFFF000, v9;
	v63 =	vand.u32 $0x380, v10  }
0x3a: {  	v7 =	vand.u32 $0x7F, v7;
	v5 =	vor.u32 v6, v5;
	v8 =	vor.u32 v62, v63  }
0x3b: {  	v5 =	vor.u32 v7, v5;
	v6 =	vor.u32 v6, v8  }
0x3c: {  	v6 =	vor.u32 v7, v6;
	_ =	sdelay $0x2  }
0x3d: {  	s29 =	simm.s32 $0x10  }
0x3e: {  	s30 =	simm.s32 $0x20;
	s0 =	sand.u32 $0x180, s29;
	[tilespmem:v5+s14+$0x0] =	vst.idx.msk $0xffff, v3  }
0x3f: {  	s1 =	sand.u32 $0x70, s29;
	s26 =	sadd.s32 s11, s24;
	s31 =	sadd.s32 s0, s25;
	[tilespmem:v6+s14+$0x0] =	vst.idx.msk $0xffff, v1  }
.LBB2_7:
0x40: {  	p1 =	sne.s32 s30, $0x1F0;
	s0 =	sadd.s32 s1, s31;
	[tilespmem:s28+$0x0] =	vst v4  }
0x41: {  	s28 =	sadd.s32 $0x10, s28;
	v4 =	vld [tilespmem:s0+$0x0]  }
0x42: {  	v5 =	vld [tilespmem:s28+$0x0];
	_ =	sdelay $0x3  }
0x43: {  	v4 =	vmax.f32 v4, $9.999999970e-07  }
0x44: {  	v4 =	vmin.f32 v4, $9.999989860e-01  }
0x45: {  	v4 =	vmul.f32 $6.400000000e+01, v4;
	_ =	sdelay $0x1  }
0x46: {  	v6 =	vmov s29;
	v7 =	vor.u32 s29, v2;
	s29 =	smov.u32 s30;
	v4 =	vtrunc.f32 v4  }
0x47: {  	v6 =	vshll.u32 v6, $0x3;
	v8 =	vshll.u32 v5, $0x9;
	v4 =	vcvt.f32.s32 v4  }
0x48: {  	v6 =	vand.u32 $0xC00, v6;
	v5 =	vshll.u32 v5, $0x7;
	v8 =	vand.u32 $0xFFFFF000, v8  }
0x49: {  	v5 =	vand.u32 $0x380, v5;
	v9 =	vshll.u32 v4, $0x9;
	v10 =	vshll.u32 v4, $0x7  }
0x4a: {  	v5 =	vor.u32 v8, v5;
	v8 =	vand.u32 $0xFFFFF000, v9;
	v9 =	vand.u32 $0x380, v10  }
0x4b: {  	v7 =	vand.u32 $0x7F, v7;
	v5 =	vor.u32 v6, v5;
	v8 =	vor.u32 v8, v9  }
0x4c: {  	v5 =	vor.u32 v7, v5;
	v6 =	vor.u32 v6, v8  }
0x4d: {  	v6 =	vor.u32 v7, v6  }
.Ltmp2:
0x4e: {  	(pc) =	sbr.rel @p1 .LBB2_7-.Ltmp2, $3  }
0x4f: {  	_ =	sdelay $0x1  }
0x50: {  	s0 =	sand.u32 $0x180, s30;
	[tilespmem:v5+s14+$0x0] =	vst.idx.msk $0xffff, v3  }
0x51: {  	s1 =	sand.u32 $0x70, s29;
	s30 =	sadd.s32 $0x10, s30;
	s31 =	sadd.s32 s0, s25;
	[tilespmem:v6+s14+$0x0] =	vst.idx.msk $0xffff, v1  }
0x52: {  	s0 =	sadd.s32 s1, s31;
	[tilespmem:s28+$0x0] =	vst v4  }
0x53: {  	v4 =	vld [tilespmem:s0+$0x0];
	_ =	sdelay $0x3  }
0x54: {  	s1 =	sadd.s32 $0x10, s28  }
0x55: {  	v5 =	vld [tilespmem:s1+$0x0];
	v4 =	vmax.f32 v4, $9.999999970e-07  }
0x56: {  	v4 =	vmin.f32 v4, $9.999989860e-01  }
0x57: {  	v4 =	vmul.f32 $6.400000000e+01, v4;
	_ =	sdelay $0x1  }
0x58: {  	v6 =	vmov s29;
	v7 =	vor.u32 s29, v2;
	v4 =	vtrunc.f32 v4  }
0x59: {  	v6 =	vshll.u32 v6, $0x3;
	v8 =	vshll.u32 v5, $0x9;
	v4 =	vcvt.f32.s32 v4  }
0x5a: {  	v6 =	vand.u32 $0xC00, v6;
	v5 =	vshll.u32 v5, $0x7;
	v8 =	vand.u32 $0xFFFFF000, v8  }
0x5b: {  	v5 =	vand.u32 $0x380, v5;
	v9 =	vshll.u32 v4, $0x9;
	v10 =	vshll.u32 v4, $0x7  }
0x5c: {  	v5 =	vor.u32 v8, v5;
	v57 =	vand.u32 $0xFFFFF000, v9;
	v58 =	vand.u32 $0x380, v10  }
0x5d: {  	v7 =	vand.u32 $0x7F, v7;
	v5 =	vor.u32 v6, v5;
	v8 =	vor.u32 v57, v58  }
0x5e: {  	v5 =	vor.u32 v7, v5;
	v6 =	vor.u32 v6, v8  }
0x5f: {  	v6 =	vor.u32 v7, v6;
	_ =	sdelay $0x3  }
0x60: {  	[tilespmem:v5+s14+$0x0] =	vst.idx.msk $0xffff, v3  }
0x61: {  	s26 =	sshll.u32 s26, $0xD;
	[tilespmem:v6+s14+$0x0] =	vst.idx.msk $0xffff, v1  }
0x62: {  	[tilespmem:s1+$0x0] =	vst v4;
	s1 =	sadd.s32 s2, s26  }
0x63: {  	[hbm4b:s1+s18] =	stream.strided.scatter [tilespmem:s14], [sflag:$0x1], $0x8000, s19, s18, $0x38;
	[tilespmem:$0x16400] =	vst v63  }
0x64: {  	s0 =	simm.s32 @!p0 $0x2;
	s1 =	simm.s32 $0x0  }
0x65: {  	_ =	swait.ge @!p0 [sflag:s0], $0x8000;
	s28 =	sand.u32 $0x180, s1  }
0x66: {  	s29 =	sand.u32 $0x70, s1;
	[sflag:s0] =	ssyncset.done @!p0 $0x0;
	s30 =	sadd.s32 s28, s25  }
0x67: {  	[sflag:s0] =	ssyncadd.s32 @!p0 $0xFFFF8000;
	s0 =	sadd.s32 s29, s30  }
0x68: {  	v4 =	vld [tilespmem:s0+$0x200];
	_ =	sdelay $0x3  }
0x69: {  	s28 =	sor.u32 s29, s28  }
0x6a: {  	v5 =	vld [tilespmem:s28+$0x15200];
	v4 =	vmax.f32 v4, $9.999999970e-07  }
0x6b: {  	v4 =	vmin.f32 v4, $9.999989860e-01  }
0x6c: {  	v4 =	vmul.f32 $6.400000000e+01, v4;
	_ =	sdelay $0x1  }
0x6d: {  	v6 =	vmov s1;
	v7 =	vor.u32 s1, v2;
	v4 =	vtrunc.f32 v4  }
0x6e: {  	v6 =	vshll.u32 v6, $0x3;
	v59 =	vshll.u32 v5, $0x9;
	v4 =	vcvt.f32.s32 v4  }
0x6f: {  	v6 =	vand.u32 $0xC00, v6;
	v5 =	vshll.u32 v5, $0x7;
	v8 =	vand.u32 $0xFFFFF000, v59  }
0x70: {  	v5 =	vand.u32 $0x380, v5;
	v60 =	vshll.u32 v4, $0x9;
	v61 =	vshll.u32 v4, $0x7  }
0x71: {  	v5 =	vor.u32 v5, v8;
	v62 =	vand.u32 $0xFFFFF000, v60;
	v63 =	vand.u32 $0x380, v61  }
0x72: {  	v7 =	vand.u32 $0x7F, v7;
	v5 =	vor.u32 v6, v5;
	v8 =	vor.u32 v63, v62  }
0x73: {  	v5 =	vor.u32 v7, v5;
	v6 =	vor.u32 v6, v8  }
0x74: {  	v5 =	vadd.s32 $0x8000, v5;
	v6 =	vor.u32 v7, v6  }
0x75: {  	v6 =	vadd.s32 $0x8000, v6;
	_ =	sdelay $0x2  }
0x76: {  	s29 =	simm.s32 $0x10  }
0x77: {  	s31 =	sand.u32 $0x180, s29;
	[tilespmem:v5+s14+$0x0] =	vst.idx.msk $0xffff, v3  }
0x78: {  	s30 =	simm.s32 $0x20;
	s1 =	sand.u32 $0x70, s29;
	s0 =	sadd.s32 s31, s25;
	[tilespmem:v6+s14+$0x0] =	vst.idx.msk $0xffff, v1  }
.LBB2_9:
0x79: {  	p0 =	sne.s32 s30, $0x1F0;
	s0 =	sadd.s32 s1, s0;
	[tilespmem:s28+$0x15200] =	vst v4  }
0x7a: {  	s28 =	sor.u32 s1, s31;
	v4 =	vld [tilespmem:s0+$0x200]  }
0x7b: {  	v5 =	vld [tilespmem:s28+$0x15200];
	_ =	sdelay $0x3  }
0x7c: {  	v4 =	vmax.f32 v4, $9.999999970e-07  }
0x7d: {  	v4 =	vmin.f32 v4, $9.999989860e-01  }
0x7e: {  	v4 =	vmul.f32 $6.400000000e+01, v4;
	_ =	sdelay $0x1  }
0x7f: {  	v6 =	vmov s29;
	v7 =	vor.u32 s29, v2;
	s29 =	smov.u32 s30;
	v4 =	vtrunc.f32 v4  }
0x80: {  	v6 =	vshll.u32 v6, $0x3;
	v8 =	vshll.u32 v5, $0x9;
	v4 =	vcvt.f32.s32 v4  }
0x81: {  	v6 =	vand.u32 $0xC00, v6;
	v5 =	vshll.u32 v5, $0x7;
	v8 =	vand.u32 $0xFFFFF000, v8  }
0x82: {  	v5 =	vand.u32 $0x380, v5;
	v9 =	vshll.u32 v4, $0x9;
	v10 =	vshll.u32 v4, $0x7  }
0x83: {  	v5 =	vor.u32 v5, v8;
	v8 =	vand.u32 $0xFFFFF000, v9;
	v9 =	vand.u32 $0x380, v10  }
0x84: {  	v7 =	vand.u32 $0x7F, v7;
	v5 =	vor.u32 v6, v5;
	v8 =	vor.u32 v9, v8  }
0x85: {  	v5 =	vor.u32 v7, v5;
	v6 =	vor.u32 v6, v8  }
0x86: {  	v5 =	vadd.s32 $0x8000, v5;
	v6 =	vor.u32 v7, v6  }
0x87: {  	v6 =	vadd.s32 $0x8000, v6  }
.Ltmp3:
0x88: {  	(pc) =	sbr.rel @p0 .LBB2_9-.Ltmp3, $3  }
0x89: {  	_ =	sdelay $0x1  }
0x8a: {  	s31 =	sand.u32 $0x180, s30;
	[tilespmem:v5+s14+$0x0] =	vst.idx.msk $0xffff, v3  }
0x8b: {  	s30 =	sadd.s32 $0x10, s30;
	s1 =	sand.u32 $0x70, s29;
	s0 =	sadd.s32 s31, s25;
	[tilespmem:v6+s14+$0x0] =	vst.idx.msk $0xffff, v1  }
0x8c: {  	s0 =	sadd.s32 s1, s0;
	[tilespmem:s28+$0x15200] =	vst v4  }
0x8d: {  	v4 =	vld [tilespmem:s0+$0x200];
	_ =	sdelay $0x3  }
0x8e: {  	s30 =	sor.u32 s1, s31  }
0x8f: {  	v5 =	vld [tilespmem:s30+$0x15200];
	v4 =	vmax.f32 v4, $9.999999970e-07  }
0x90: {  	v4 =	vmin.f32 v4, $9.999989860e-01  }
0x91: {  	v4 =	vmul.f32 $6.400000000e+01, v4;
	_ =	sdelay $0x1  }
0x92: {  	v6 =	vmov s29;
	v7 =	vor.u32 s29, v2;
	v4 =	vtrunc.f32 v4  }
0x93: {  	v6 =	vshll.u32 v6, $0x3;
	v8 =	vshll.u32 v5, $0x9;
	v4 =	vcvt.f32.s32 v4  }
0x94: {  	v6 =	vand.u32 $0xC00, v6;
	v5 =	vshll.u32 v5, $0x7;
	v8 =	vand.u32 $0xFFFFF000, v8  }
0x95: {  	v5 =	vand.u32 $0x380, v5;
	v9 =	vshll.u32 v4, $0x9;
	v10 =	vshll.u32 v4, $0x7  }
0x96: {  	v5 =	vor.u32 v5, v8;
	v62 =	vand.u32 $0xFFFFF000, v9;
	v63 =	vand.u32 $0x380, v10  }
0x97: {  	v7 =	vand.u32 $0x7F, v7;
	v5 =	vor.u32 v6, v5;
	v8 =	vor.u32 v63, v62  }
0x98: {  	v5 =	vor.u32 v7, v5;
	v6 =	vor.u32 v6, v8  }
0x99: {  	v5 =	vadd.s32 $0x8000, v5;
	v6 =	vor.u32 v7, v6  }
0x9a: {  	v6 =	vadd.s32 $0x8000, v6  }
0x9b: {  	s24 =	sadd.s32 $0x1, s24  }
0x9c: {  	p0 =	sne.s32 s24, $0x14  }
.Ltmp4:
0x9d: {  	_ = 	snop;
	(pc) =	sbr.rel @p0 .LBB2_6-.Ltmp4, $4  }
0x9e: {  	[tilespmem:v5+s14+$0x0] =	vst.idx.msk $0xffff, v3  }
0x9f: {  	[tilespmem:v6+s14+$0x0] =	vst.idx.msk $0xffff, v1  }
0xa0: {  	s31 =	sadd.s32 s26, s12;
	[tilespmem:s30+$0x15200] =	vst v4  }
0xa1: {  	[hbm4b:s31+s18] =	stream.strided.scatter [tilespmem:s20], [sflag:$0x2], $0x8000, s19, s18, $0x38;
	[tilespmem:$0x16400] =	vst v63  }
0xa2: {  	_ =	swait.ge [sflag:s16], $0x8000  }
0xa3: {  	[sflag:s16] =	ssyncset.done $0x0  }
0xa4: {  	[sflag:s16] =	ssyncadd.s32 $0xFFFF8000  }
0xa5: {  	_ =	swait.ge [sflag:s17], $0x8000  }
0xa6: {  	[sflag:s17] =	ssyncset.done $0x0  }
0xa7: {  	[sflag:s17] =	ssyncadd.s32 $0xFFFF8000  }
0xa8: {  	_ =	swait.ge [sflag:s21], $0x1000  }
0xa9: {  	[sflag:s21] =	ssyncset.done $0x0  }
0xaa: {  	[sflag:s21] =	ssyncadd.s32 $0xFFFFF000  }
0xab: {  	_ =	swait.ge [sflag:s21], $0x1000  }
0xac: {  	[sflag:s21] =	ssyncset.done $0x0  }
0xad: {  	[sflag:s21] =	ssyncadd.s32 $0xFFFFF000  }
0xae: {  	_ =	swait.ge [sflag:s21], $0x1000  }
0xaf: {  	[sflag:s21] =	ssyncset.done $0x0  }
0xb0: {  	s22 =	sadd.s32 $0x1, s22;
	[sflag:s21] =	ssyncadd.s32 $0xFFFFF000  }
0xb1: {  	p0 =	sne.s32 s22, s13;
	_ =	swait.ge [sflag:s21], $0x1000  }
.Ltmp5:
0xb2: {  	[sflag:s21] =	ssyncset.done $0x0;
	(pc) =	sbr.rel @p0 .LBB2_1-.Ltmp5, $4  }
0xb3: {  	[sflag:s21] =	ssyncadd.s32 $0xFFFFF000  }
0xb4: {  	_ =	swait.ge [sflag:s21], $0x1000  }
0xb5: {  	[sflag:s21] =	ssyncset.done $0x0  }
0xb6: {  	[sflag:s21] =	ssyncadd.s32 $0xFFFFF000  }
0xb7: {  	_ =	sfence.sel $0x180000  }
0xb8: {  	[bflag:$0x0] =	sbarrier.arrive $0xFFFF  }
0xb9: {  	_ =	strace $0x90000047  }
0xba: {  	s0 =	stileid.u32;
	[bflag:$0x2] =	sbarrier.arrive $0xFFFF  }
0xbb: {  	p0 =	sne.s32 s0, $0x0;
	s0 =	rddreg [dreg:$0x3]  }
0xbc: {  	s0 =	sadd.s32 @!p0 $0x100000, s0  }
0xbd: {  	[sflag:s0] =	ssyncadd.tile.s32 @!p0 $0x1;
	_ =	shalt  }
.Lfunc_end2:
_tile_overlayer_lowered:
.L_overlay_start_2:
0xbe: {  	(tag) =	ssettag $0x2  }
0xbf: {  	s0 =	rddreg [dreg:$0x0];
	s2 =	stileid.u32  }
0xc0: {  	s1 =	rddreg [dreg:$0x1];
	p0 =	sne.s32 s2, $0x0  }
0xc1: {  	s3 =	rddreg [dreg:$0x2];
	[bflag:$0x3] =	sbarrier.arrive $0xFFFF;
	s2 =	simm.s32 @!p0 $0x1C04  }
0xc2: {  	[timem:s3], [sflag:s2] =	dma.local @!p0 [hbm:s0], s1  }
0xc3: {  	s0 =	simm.s32 @!p0 $0x4  }
0xc4: {  	_ =	swait.ge @!p0 [sflag:s0], s1  }
0xc5: {  	s1 =	ssub.s32 @!p0 $0x0, s1;
	[sflag:s0] =	ssyncset.done @!p0 $0x0  }
0xc6: {  	[sflag:s0] =	ssyncadd.s32 @!p0 s1  }
0xc7: {  	[bflag:$0x3] =	sbarrier.arrive $0xFFFF  }
0xc8: {  	_ =	shalt  }

</sc_bundles>
